<compile_context>
chip_gen: v7x
topology: tpu7x:2x2x1
jax: 0.10.2.dev20260603
libtpu: 0.0.44.dev20260713+nightly
codegen_flags: <defaults>
</compile_context>

<pallas_src>
import functools

import jax
import jax.numpy as jnp
from jax import lax
from jax.experimental import pallas as pl
from jax.experimental.pallas import tpu as pltpu
from jax.experimental.pallas import tpu_sc as plsc


def _tc_argmax(xn, cn, mt=1024):
    m, d = xn.shape
    k_total = cn.shape[0]
    n_mt = m // mt

    def body(x_ref, cn_ref, idx_ref, ms_ref):
        sim = lax.dot_general(x_ref[...], cn_ref[...], (((1,), (1,)), ((), ())),
                              preferred_element_type=jnp.float32)
        tmax = jnp.max(sim, axis=1)
        targ = jnp.argmax(sim, axis=1).astype(jnp.int32)
        idx_ref[...] = targ
        ms_ref[...] = tmax

    return pl.pallas_call(
        body,
        grid=(n_mt,),
        in_specs=[
            pl.BlockSpec((mt, d), lambda mi: (mi, 0)),
            pl.BlockSpec((k_total, d), lambda mi: (0, 0)),
        ],
        out_specs=[
            pl.BlockSpec((mt,), lambda mi: (mi,)),
            pl.BlockSpec((mt,), lambda mi: (mi,)),
        ],
        out_shape=[
            jax.ShapeDtypeStruct((m,), jnp.int32),
            jax.ShapeDtypeStruct((m,), jnp.float32),
        ],
        compiler_params=pltpu.CompilerParams(
            vmem_limit_bytes=100 * 1024 * 1024),
    )(xn, cn)


def _sc_gather_hist(cn, idx):
    k_total, d = cn.shape
    m = idx.shape[0]
    info = plsc.get_sparse_core_info()
    nc, ns = info.num_cores, info.num_subcores
    nw = nc * ns
    rows_w = m // nw
    ch = 128
    n_ch = rows_w // ch
    hr, hc = k_total // 128, 128

    mesh = plsc.VectorSubcoreMesh(core_axis_name="c", subcore_axis_name="s")

    @functools.partial(
        pl.kernel,
        out_type=[
            jax.ShapeDtypeStruct((m, d), jnp.float32),
            jax.ShapeDtypeStruct((nc, hr, hc), jnp.float32),
        ],
        mesh=mesh,
        compiler_params=pltpu.CompilerParams(needs_layout_passes=False),
        scratch_types=[
            pltpu.VMEM((rows_w,), jnp.int32),
            pltpu.VMEM((ch, d), jnp.float32),
            pltpu.VMEM((ch, d), jnp.float32),
            pltpu.VMEM((hr, hc), jnp.float32),
            pltpu.VMEM((hr,), jnp.int32),
            pltpu.VMEM_SHARED((hr, hc), jnp.float32),
            pltpu.SemaphoreType.DMA,
            pltpu.SemaphoreType.DMA,
        ],
    )
    def sc_body(cn_hbm, idx_hbm, zq_hbm, cnt_hbm,
                idx_v, buf0, buf1, hist_v, rowid_v, shared_hist, sem0, sem1):
        ci = lax.axis_index("c")
        si = lax.axis_index("s")
        wid = si * nc + ci
        base = wid * rows_w

        pltpu.sync_copy(idx_hbm.at[pl.ds(base, rows_w)], idx_v)
        bufs = (buf0, buf1)
        sems = (sem0, sem1)
        cps = [pltpu.async_copy(cn_hbm.at[idx_v.at[pl.ds(0, ch)]], buf0, sem0),
               pltpu.async_copy(cn_hbm.at[idx_v.at[pl.ds(ch, ch)]], buf1, sem1)]

        zeros16 = jnp.zeros((16,), jnp.float32)

        def zero_body(t, _):
            r = t // (hc // 16)
            c = (t % (hc // 16)) * 16
            hist_v[r, pl.ds(c, 16)] = zeros16
            return 0

        lax.fori_loop(0, hr * (hc // 16), zero_body, 0)
        for j in range(hr // 16):
            rowid_v[pl.ds(j * 16, 16)] = lax.iota(jnp.int32, 16) + j * 16

        @pl.when(si == 0)
        def _():
            pltpu.sync_copy(hist_v, shared_hist)

        lane = lax.iota(jnp.int32, 16)
        ones16 = jnp.ones((16,), jnp.float32)

        def hist_body(v, _):
            vec = idx_v[pl.ds(v * 16, 16)]
            row = lax.shift_right_logical(vec, 7)
            col = lax.bitwise_and(vec, 127)
            for j in range(16):
                plsc.addupdate_scatter(hist_v, [row, col], ones16,
                                       mask=lane == j)
            return 0

        lax.fori_loop(0, rows_w // 16, hist_body, 0)

        for c in range(n_ch):
            cps[c % 2].wait()
            pltpu.sync_copy(bufs[c % 2], zq_hbm.at[pl.ds(base + c * ch, ch)])
            if c + 2 < n_ch:
                cps[c % 2] = pltpu.async_copy(
                    cn_hbm.at[idx_v.at[pl.ds((c + 2) * ch, ch)]],
                    bufs[c % 2], sems[c % 2])

        plsc.subcore_barrier()
        pltpu.sync_copy(hist_v, shared_hist.at[rowid_v], add=True)
        plsc.subcore_barrier()

        @pl.when(si == 0)
        def _():
            pltpu.sync_copy(shared_hist, cnt_hbm.at[ci])

    return sc_body(cn, idx)


def _tc_scalars(ms2d, counts, m, d):
    def body(ms_ref, cnt_ref, loss_ref, perp_ref):
        mean_s = jnp.sum(ms_ref[...]) * (1.0 / m)
        loss = 1.25 * (2.0 - 2.0 * mean_s) * (1.0 / d)
        loss_ref[...] = jnp.broadcast_to(loss, (1, 1))
        cnt = cnt_ref[0] + cnt_ref[1]
        e = cnt * (1.0 / m)
        ent = -jnp.sum(e * jnp.log(e + 1e-10))
        perp_ref[...] = jnp.broadcast_to(jnp.exp(ent), (1, 1))

    return pl.pallas_call(
        body,
        out_shape=[
            jax.ShapeDtypeStruct((1, 1), jnp.float32),
            jax.ShapeDtypeStruct((1, 1), jnp.float32),
        ],
    )(ms2d, counts)


def _l2norm(t):
    return t / jnp.maximum(jnp.linalg.norm(t, axis=-1, keepdims=True), 1e-12)


def kernel(x, codebook):
    b, n, d = x.shape
    m = b * n
    xn = _l2norm(x.reshape(m, d))
    cn = _l2norm(codebook)
    idx, maxsim = _tc_argmax(xn.astype(jnp.bfloat16), cn.astype(jnp.bfloat16))
    zq, counts = _sc_gather_hist(cn, idx)
    loss, perp = _tc_scalars(maxsim.reshape(128, m // 128), counts, m, d)
    return zq.reshape(b, n, d), loss.reshape(()), perp.reshape(())

# --- scband reference (transcript-rebuilt; emitter-appended) ---
"""Pipeline reference for scband-vector-quantizer-31327491457309 (READ-ONLY COPY).

The authoritative reference and input builder live on the scoring server;
editing this copy changes nothing except your own understanding.
"""

import jax, jax.numpy as jnp
import numpy as np


def l2norm(t, eps=1e-12):
    return t / jnp.maximum(jnp.linalg.norm(t, axis=-1, keepdims=True), eps)


def setup_inputs(seed: int = 0) -> dict:
    key = jax.random.key(seed)
    k1, k2 = jax.random.split(key)
    x = jax.random.normal(k1, (16, 1024, 256), dtype=jnp.float32)
    codebook = jax.random.normal(k2, (8192, 256), dtype=jnp.float32)
    return {"x": x, "codebook": codebook}


def reference(x, codebook):
    # Cosine-similarity vector quantizer (VQGAN-style with use_cosine_sim=True)
    beta = 0.25
    B, N, D = x.shape
    x_flat = x.reshape(-1, D)
    # normalize inputs and codebook for cosine similarity
    xn = l2norm(x_flat)
    cn = l2norm(codebook)
    # similarity / nearest-neighbor lookup (compute-heavy matmul)
    sim = xn @ cn.T  # [B*N, K]
    idx = jnp.argmax(sim, axis=-1)  # [B*N]
    z_q = jnp.take(cn, idx, axis=0)  # gather quantized (normalized) codes
    # commitment + codebook losses
    commit_loss = jnp.mean((jax.lax.stop_gradient(z_q) - xn) ** 2)
    codebook_loss = jnp.mean((z_q - jax.lax.stop_gradient(xn)) ** 2)
    loss = beta * commit_loss + codebook_loss
    # straight-through estimator
    z_q_st = xn + jax.lax.stop_gradient(z_q - xn)
    # stats: codebook usage perplexity
    onehot = jax.nn.one_hot(idx, codebook.shape[0], dtype=jnp.float32)
    e_mean = jnp.mean(onehot, axis=0)
    perplexity = jnp.exp(-jnp.sum(e_mean * jnp.log(e_mean + 1e-10)))
    return z_q_st.reshape(B, N, D), loss, perplexity

if __name__ == "__main__":
    import jax
    _d = setup_inputs()
    print(jax.jit(kernel)(*tuple(_d.values())))

</pallas_src>

<mosaic_0001>
#map = affine_map<(d0, d1) -> (0, 0)>
#map1 = affine_map<(d0, d1) -> (0)>
#map2 = affine_map<(d0, d1) -> (0, 0, 0)>
module attributes {stable_mosaic.version = 14 : i64} {
  func.func @sc_body(%arg0: i32, %arg1: i32, %arg2: memref<8192x256xf32, #tpu.memory_space<hbm>>, %arg3: memref<16384xi32, #tpu.memory_space<hbm>>, %arg4: memref<16384x256xf32, #tpu.memory_space<hbm>>, %arg5: memref<2x64x128xf32, #tpu.memory_space<hbm>>, %arg6: memref<512xi32, #tpu.memory_space<vmem>>, %arg7: memref<128x256xf32, #tpu.memory_space<vmem>>, %arg8: memref<128x256xf32, #tpu.memory_space<vmem>>, %arg9: memref<64x128xf32, #tpu.memory_space<vmem>>, %arg10: memref<64xi32, #tpu.memory_space<vmem>>, %arg11: memref<64x128xf32, #tpu.memory_space<vmem_shared>>, %arg12: memref<!tpu.dma_semaphore, #tpu.memory_space<semaphore_mem>>, %arg13: memref<!tpu.dma_semaphore, #tpu.memory_space<semaphore_mem>>) attributes {dimension_semantics = [#tpu.dimension_semantics<core_parallel>, #tpu.dimension_semantics<subcore_parallel>], iteration_bounds = array<i64: 2, 16>, scalar_prefetch = 0 : i64, scratch_operands = 8 : i64, tpu.core_type = #tpu.core_type<sc_vector_subcore>, window_params = [{transform_indices = #map}, {transform_indices = #map1}, {transform_indices = #map}, {transform_indices = #map2}]} {
    %mul3A = arith.constant 2 : i32
    %mul3A_0 = arith.muli %arg1, %mul3A : i32
    %add3A = arith.addi %mul3A_0, %arg0 : i32
    %mul3A_1 = arith.constant 512 : i32
    %mul3A_2 = arith.muli %add3A, %mul3A_1 : i32
    "tpu.region"() ({
      %run_scoped3A = tpu.sem_alloc : memref<!tpu.dma_semaphore, #tpu.memory_space<semaphore_mem>>
      %dma_start3A_96 = tpu.memref_slice %arg3[%mul3A_2] : memref<16384xi32, #tpu.memory_space<hbm>> -> memref<512xi32, #tpu.memory_space<hbm>>
      %dma_start3A_97 = tpu.memref_slice %arg3[%mul3A_2] : memref<16384xi32, #tpu.memory_space<hbm>> -> memref<512xi32, #tpu.memory_space<hbm>>
      tpu.enqueue_dma source(%dma_start3A_97 : memref<512xi32, #tpu.memory_space<hbm>>) target(%arg6 : memref<512xi32, #tpu.memory_space<vmem>>) target_semaphore(%run_scoped3A : memref<!tpu.dma_semaphore, #tpu.memory_space<semaphore_mem>>)
      %dma_wait3A_98 = tpu.memref_slice %arg3[%mul3A_2] : memref<16384xi32, #tpu.memory_space<hbm>> -> memref<512xi32, #tpu.memory_space<hbm>>
      %dma_wait3A_99 = tpu.memref_slice %arg3[%mul3A_2] : memref<16384xi32, #tpu.memory_space<hbm>> -> memref<512xi32, #tpu.memory_space<hbm>>
      tpu.wait_dma2 semaphore(%run_scoped3A : memref<!tpu.dma_semaphore, #tpu.memory_space<semaphore_mem>>) src(%dma_wait3A_99 : memref<512xi32, #tpu.memory_space<hbm>>) dst(%arg6 : memref<512xi32, #tpu.memory_space<vmem>>)
      tpu.yield
    }) : () -> ()
    %dma_start3A = arith.constant 0 : i32
    %dma_start3A_3 = tpu.memref_slice %arg6[%dma_start3A] : memref<512xi32, #tpu.memory_space<vmem>> -> memref<128xi32, #tpu.memory_space<vmem>>
    %dma_start3A_4 = arith.constant 0 : i32
    %dma_start3A_5 = arith.constant 0 : i32
    %dma_start3A_6 = tpu.memref_slice %arg2[%dma_start3A_4, %dma_start3A_5] : memref<8192x256xf32, #tpu.memory_space<hbm>> -> memref<8192x256xf32, #tpu.memory_space<hbm>>
    tpu.enqueue_indirect_dma source(%dma_start3A_6 : memref<8192x256xf32, #tpu.memory_space<hbm>>) target(%arg7 : memref<128x256xf32, #tpu.memory_space<vmem>>) offsets(%dma_start3A_3 : memref<128xi32, #tpu.memory_space<vmem>>) semaphore(%arg12 : memref<!tpu.dma_semaphore, #tpu.memory_space<semaphore_mem>>)
    %dma_start3A_7 = arith.constant 128 : i32
    %dma_start3A_8 = tpu.memref_slice %arg6[%dma_start3A_7] : memref<512xi32, #tpu.memory_space<vmem>> -> memref<128xi32, #tpu.memory_space<vmem>>
    %dma_start3A_9 = arith.constant 0 : i32
    %dma_start3A_10 = arith.constant 0 : i32
    %dma_start3A_11 = tpu.memref_slice %arg2[%dma_start3A_9, %dma_start3A_10] : memref<8192x256xf32, #tpu.memory_space<hbm>> -> memref<8192x256xf32, #tpu.memory_space<hbm>>
    tpu.enqueue_indirect_dma source(%dma_start3A_11 : memref<8192x256xf32, #tpu.memory_space<hbm>>) target(%arg8 : memref<128x256xf32, #tpu.memory_space<vmem>>) offsets(%dma_start3A_8 : memref<128xi32, #tpu.memory_space<vmem>>) semaphore(%arg13 : memref<!tpu.dma_semaphore, #tpu.memory_space<semaphore_mem>>)
    %broadcast_in_dim3A = arith.constant 0.000000e+00 : f32
    %broadcast_in_dim3A_12 = vector.broadcast %broadcast_in_dim3A : f32 to vector<16xf32>
    %scan3A = arith.constant 0 : i32
    %scan3A_13 = arith.constant 0 : i32
    %scan3A_14 = arith.constant 512 : i32
    %scan3A_15 = arith.addi %scan3A_13, %scan3A_14 : i32
    %scan3A_16 = arith.constant 1 : i32
    %scan3A_17 = scf.for %scan3A_96 = %scan3A_13 to %scan3A_15 step %scan3A_16 iter_args(%scan3A_97 = %scan3A) -> (i32)  : i32 {
      %jit3A = arith.constant 8 : i32
      %div3A = arith.divsi %scan3A_96, %jit3A : i32
      %sign3A = arith.constant 0 : i32
      %sign3A_98 = arith.cmpi sgt, %scan3A_96, %sign3A : i32
      %sign3A_99 = arith.extui %sign3A_98 : i1 to i32
      %sign3A_100 = arith.constant 0 : i32
      %sign3A_101 = arith.cmpi slt, %scan3A_96, %sign3A_100 : i32
      %sign3A_102 = arith.extui %sign3A_101 : i1 to i32
      %sign3A_103 = arith.subi %sign3A_99, %sign3A_102 : i32
      %sign3A_104 = arith.constant 0 : i32
      %sign3A_105 = arith.cmpi sgt, %jit3A, %sign3A_104 : i32
      %sign3A_106 = arith.extui %sign3A_105 : i1 to i32
      %sign3A_107 = arith.constant 0 : i32
      %sign3A_108 = arith.cmpi slt, %jit3A, %sign3A_107 : i32
      %sign3A_109 = arith.extui %sign3A_108 : i1 to i32
      %sign3A_110 = arith.subi %sign3A_106, %sign3A_109 : i32
      %ne3A = arith.cmpi ne, %sign3A_103, %sign3A_110 : i32
      %rem3A = arith.remsi %scan3A_96, %jit3A : i32
      %ne3A_111 = arith.constant 0 : i32
      %ne3A_112 = arith.cmpi ne, %rem3A, %ne3A_111 : i32
      %and3A = arith.andi %ne3A, %ne3A_112 : i1
      %sub3A = arith.constant 1 : i32
      %sub3A_113 = arith.subi %div3A, %sub3A : i32
      %select_n3A = arith.select %and3A, %sub3A_113, %div3A : i32
      %jit3A_114 = arith.constant 8 : i32
      %eq3A_115 = arith.constant 0 : i32
      %eq3A_116 = arith.cmpi eq, %jit3A_114, %eq3A_115 : i32
      %jit3A_117 = arith.constant 1 : i32
      %select_n3A_118 = arith.select %eq3A_116, %jit3A_117, %jit3A_114 : i32
      %rem3A_119 = arith.remsi %scan3A_96, %select_n3A_118 : i32
      %ne3A_120 = arith.constant 0 : i32
      %ne3A_121 = arith.cmpi ne, %rem3A_119, %ne3A_120 : i32
      %lt3A = arith.constant 0 : i32
      %lt3A_122 = arith.cmpi slt, %rem3A_119, %lt3A : i32
      %lt3A_123 = arith.constant 0 : i32
      %lt3A_124 = arith.cmpi slt, %select_n3A_118, %lt3A_123 : i32
      %ne3A_125 = arith.xori %lt3A_122, %lt3A_124 : i1
      %and3A_126 = arith.andi %ne3A_125, %ne3A_121 : i1
      %add3A_127 = arith.addi %rem3A_119, %select_n3A_118 : i32
      %select_n3A_128 = arith.select %and3A_126, %add3A_127, %rem3A_119 : i32
      %mul3A_129 = arith.constant 16 : i32
      %mul3A_130 = arith.muli %select_n3A_128, %mul3A_129 : i32
      %swap3A_131 = arith.index_cast %select_n3A : i32 to index
      %swap3A_132 = arith.index_cast %mul3A_130 : i32 to index
      %swap3A_133 = tpu.vector_load %arg9[%swap3A_131, %swap3A_132] {strides = array<i32>} : memref<64x128xf32, #tpu.memory_space<vmem>>, vector<16xf32>,
      tpu.vector_store %arg9[%swap3A_131, %swap3A_132], %broadcast_in_dim3A_12 {strides = array<i32>} : memref<64x128xf32, #tpu.memory_space<vmem>>, vector<16xf32>,
      %scan3A_134 = arith.constant 0 : i32
      scf.yield %scan3A_134 : i32
    }
    %scan3A_18 = arith.constant 512 : i32
    %iota3A = tpu.iota {dimensions = array<i32: 0>} : vector<16xi32>
    %add3A_19 = arith.constant 0 : i32
    %add3A_20 = vector.broadcast %add3A_19 : i32 to vector<16xi32>
    %add3A_21 = arith.addi %iota3A, %add3A_20 : vector<16xi32>
    %swap3A = arith.constant 0 : index
    %swap3A_22 = tpu.vector_load %arg10[%swap3A] {strides = array<i32>} : memref<64xi32, #tpu.memory_space<vmem>>, vector<16xi32>,
    tpu.vector_store %arg10[%swap3A], %add3A_21 {strides = array<i32>} : memref<64xi32, #tpu.memory_space<vmem>>, vector<16xi32>,
    %iota3A_23 = tpu.iota {dimensions = array<i32: 0>} : vector<16xi32>
    %add3A_24 = arith.constant 16 : i32
    %add3A_25 = vector.broadcast %add3A_24 : i32 to vector<16xi32>
    %add3A_26 = arith.addi %iota3A_23, %add3A_25 : vector<16xi32>
    %swap3A_27 = arith.constant 16 : index
    %swap3A_28 = tpu.vector_load %arg10[%swap3A_27] {strides = array<i32>} : memref<64xi32, #tpu.memory_space<vmem>>, vector<16xi32>,
    tpu.vector_store %arg10[%swap3A_27], %add3A_26 {strides = array<i32>} : memref<64xi32, #tpu.memory_space<vmem>>, vector<16xi32>,
    %iota3A_29 = tpu.iota {dimensions = array<i32: 0>} : vector<16xi32>
    %add3A_30 = arith.constant 32 : i32
    %add3A_31 = vector.broadcast %add3A_30 : i32 to vector<16xi32>
    %add3A_32 = arith.addi %iota3A_29, %add3A_31 : vector<16xi32>
    %swap3A_33 = arith.constant 32 : index
    %swap3A_34 = tpu.vector_load %arg10[%swap3A_33] {strides = array<i32>} : memref<64xi32, #tpu.memory_space<vmem>>, vector<16xi32>,
    tpu.vector_store %arg10[%swap3A_33], %add3A_32 {strides = array<i32>} : memref<64xi32, #tpu.memory_space<vmem>>, vector<16xi32>,
    %iota3A_35 = tpu.iota {dimensions = array<i32: 0>} : vector<16xi32>
    %add3A_36 = arith.constant 48 : i32
    %add3A_37 = vector.broadcast %add3A_36 : i32 to vector<16xi32>
    %add3A_38 = arith.addi %iota3A_35, %add3A_37 : vector<16xi32>
    %swap3A_39 = arith.constant 48 : index
    %swap3A_40 = tpu.vector_load %arg10[%swap3A_39] {strides = array<i32>} : memref<64xi32, #tpu.memory_space<vmem>>, vector<16xi32>,
    tpu.vector_store %arg10[%swap3A_39], %add3A_38 {strides = array<i32>} : memref<64xi32, #tpu.memory_space<vmem>>, vector<16xi32>,
    %eq3A = arith.constant 0 : i32
    %eq3A_41 = arith.cmpi eq, %arg1, %eq3A : i32
    %convert_element_type3A = arith.extui %eq3A_41 : i1 to i32
    %cond3A = arith.constant 0 : i32
    %cond3A_42 = arith.cmpi ne, %convert_element_type3A, %cond3A : i32
    scf.if %cond3A_42 {
      "tpu.region"() ({
        %run_scoped3A = tpu.sem_alloc : memref<!tpu.dma_semaphore, #tpu.memory_space<semaphore_mem>>
        tpu.enqueue_dma source(%arg9 : memref<64x128xf32, #tpu.memory_space<vmem>>) target(%arg11 : memref<64x128xf32, #tpu.memory_space<vmem_shared>>) target_semaphore(%run_scoped3A : memref<!tpu.dma_semaphore, #tpu.memory_space<semaphore_mem>>)
        tpu.wait_dma2 semaphore(%run_scoped3A : memref<!tpu.dma_semaphore, #tpu.memory_space<semaphore_mem>>) src(%arg9 : memref<64x128xf32, #tpu.memory_space<vmem>>) dst(%arg11 : memref<64x128xf32, #tpu.memory_space<vmem_shared>>)
        tpu.yield
      }) : () -> ()
    } else {
    }
    %iota3A_43 = tpu.iota {dimensions = array<i32: 0>} : vector<16xi32>
    %broadcast_in_dim3A_44 = arith.constant 1.000000e+00 : f32
    %broadcast_in_dim3A_45 = vector.broadcast %broadcast_in_dim3A_44 : f32 to vector<16xf32>
    %scan3A_46 = arith.constant 0 : i32
    %scan3A_47 = arith.constant 0 : i32
    %scan3A_48 = arith.constant 32 : i32
    %scan3A_49 = arith.addi %scan3A_47, %scan3A_48 : i32
    %scan3A_50 = arith.constant 1 : i32
    %scan3A_51 = scf.for %scan3A_96 = %scan3A_47 to %scan3A_49 step %scan3A_50 iter_args(%scan3A_97 = %scan3A_46) -> (i32)  : i32 {
      %mul3A_98 = arith.constant 16 : i32
      %mul3A_99 = arith.muli %scan3A_96, %mul3A_98 : i32
      %get3A = arith.index_cast %mul3A_99 : i32 to index
      %get3A_100 = tpu.vector_load %arg6[%get3A] {strides = array<i32>} : memref<512xi32, #tpu.memory_space<vmem>>, vector<16xi32>,
      %shift_right_logical3A = arith.constant 7 : i32
      %shift_right_logical3A_101 = vector.broadcast %shift_right_logical3A : i32 to vector<16xi32>
      %shift_right_logical3A_102 = arith.shrui %get3A_100, %shift_right_logical3A_101 : vector<16xi32>
      %and3A = arith.constant 127 : i32
      %and3A_103 = vector.broadcast %and3A : i32 to vector<16xi32>
      %and3A_104 = arith.andi %get3A_100, %and3A_103 : vector<16xi32>
      %eq3A_105 = arith.constant 0 : i32
      %eq3A_106 = vector.broadcast %eq3A_105 : i32 to vector<16xi32>
      %eq3A_107 = arith.cmpi eq, %iota3A_43, %eq3A_106 : vector<16xi32>
      tpu.vector_store_idx %arg9[%shift_right_logical3A_102, %and3A_104], %broadcast_in_dim3A_45 masked %eq3A_107 {add = true} : memref<64x128xf32, #tpu.memory_space<vmem>>[vector<16xi32>, vector<16xi32>], vector<16xf32>, vector<16xi1>
      %eq3A_108 = arith.constant 1 : i32
      %eq3A_109 = vector.broadcast %eq3A_108 : i32 to vector<16xi32>
      %eq3A_110 = arith.cmpi eq, %iota3A_43, %eq3A_109 : vector<16xi32>
      tpu.vector_store_idx %arg9[%shift_right_logical3A_102, %and3A_104], %broadcast_in_dim3A_45 masked %eq3A_110 {add = true} : memref<64x128xf32, #tpu.memory_space<vmem>>[vector<16xi32>, vector<16xi32>], vector<16xf32>, vector<16xi1>
      %eq3A_111 = arith.constant 2 : i32
      %eq3A_112 = vector.broadcast %eq3A_111 : i32 to vector<16xi32>
      %eq3A_113 = arith.cmpi eq, %iota3A_43, %eq3A_112 : vector<16xi32>
      tpu.vector_store_idx %arg9[%shift_right_logical3A_102, %and3A_104], %broadcast_in_dim3A_45 masked %eq3A_113 {add = true} : memref<64x128xf32, #tpu.memory_space<vmem>>[vector<16xi32>, vector<16xi32>], vector<16xf32>, vector<16xi1>
      %eq3A_114 = arith.constant 3 : i32
      %eq3A_115 = vector.broadcast %eq3A_114 : i32 to vector<16xi32>
      %eq3A_116 = arith.cmpi eq, %iota3A_43, %eq3A_115 : vector<16xi32>
      tpu.vector_store_idx %arg9[%shift_right_logical3A_102, %and3A_104], %broadcast_in_dim3A_45 masked %eq3A_116 {add = true} : memref<64x128xf32, #tpu.memory_space<vmem>>[vector<16xi32>, vector<16xi32>], vector<16xf32>, vector<16xi1>
      %eq3A_117 = arith.constant 4 : i32
      %eq3A_118 = vector.broadcast %eq3A_117 : i32 to vector<16xi32>
      %eq3A_119 = arith.cmpi eq, %iota3A_43, %eq3A_118 : vector<16xi32>
      tpu.vector_store_idx %arg9[%shift_right_logical3A_102, %and3A_104], %broadcast_in_dim3A_45 masked %eq3A_119 {add = true} : memref<64x128xf32, #tpu.memory_space<vmem>>[vector<16xi32>, vector<16xi32>], vector<16xf32>, vector<16xi1>
      %eq3A_120 = arith.constant 5 : i32
      %eq3A_121 = vector.broadcast %eq3A_120 : i32 to vector<16xi32>
      %eq3A_122 = arith.cmpi eq, %iota3A_43, %eq3A_121 : vector<16xi32>
      tpu.vector_store_idx %arg9[%shift_right_logical3A_102, %and3A_104], %broadcast_in_dim3A_45 masked %eq3A_122 {add = true} : memref<64x128xf32, #tpu.memory_space<vmem>>[vector<16xi32>, vector<16xi32>], vector<16xf32>, vector<16xi1>
      %eq3A_123 = arith.constant 6 : i32
      %eq3A_124 = vector.broadcast %eq3A_123 : i32 to vector<16xi32>
      %eq3A_125 = arith.cmpi eq, %iota3A_43, %eq3A_124 : vector<16xi32>
      tpu.vector_store_idx %arg9[%shift_right_logical3A_102, %and3A_104], %broadcast_in_dim3A_45 masked %eq3A_125 {add = true} : memref<64x128xf32, #tpu.memory_space<vmem>>[vector<16xi32>, vector<16xi32>], vector<16xf32>, vector<16xi1>
      %eq3A_126 = arith.constant 7 : i32
      %eq3A_127 = vector.broadcast %eq3A_126 : i32 to vector<16xi32>
      %eq3A_128 = arith.cmpi eq, %iota3A_43, %eq3A_127 : vector<16xi32>
      tpu.vector_store_idx %arg9[%shift_right_logical3A_102, %and3A_104], %broadcast_in_dim3A_45 masked %eq3A_128 {add = true} : memref<64x128xf32, #tpu.memory_space<vmem>>[vector<16xi32>, vector<16xi32>], vector<16xf32>, vector<16xi1>
      %eq3A_129 = arith.constant 8 : i32
      %eq3A_130 = vector.broadcast %eq3A_129 : i32 to vector<16xi32>
      %eq3A_131 = arith.cmpi eq, %iota3A_43, %eq3A_130 : vector<16xi32>
      tpu.vector_store_idx %arg9[%shift_right_logical3A_102, %and3A_104], %broadcast_in_dim3A_45 masked %eq3A_131 {add = true} : memref<64x128xf32, #tpu.memory_space<vmem>>[vector<16xi32>, vector<16xi32>], vector<16xf32>, vector<16xi1>
      %eq3A_132 = arith.constant 9 : i32
      %eq3A_133 = vector.broadcast %eq3A_132 : i32 to vector<16xi32>
      %eq3A_134 = arith.cmpi eq, %iota3A_43, %eq3A_133 : vector<16xi32>
      tpu.vector_store_idx %arg9[%shift_right_logical3A_102, %and3A_104], %broadcast_in_dim3A_45 masked %eq3A_134 {add = true} : memref<64x128xf32, #tpu.memory_space<vmem>>[vector<16xi32>, vector<16xi32>], vector<16xf32>, vector<16xi1>
      %eq3A_135 = arith.constant 10 : i32
      %eq3A_136 = vector.broadcast %eq3A_135 : i32 to vector<16xi32>
      %eq3A_137 = arith.cmpi eq, %iota3A_43, %eq3A_136 : vector<16xi32>
      tpu.vector_store_idx %arg9[%shift_right_logical3A_102, %and3A_104], %broadcast_in_dim3A_45 masked %eq3A_137 {add = true} : memref<64x128xf32, #tpu.memory_space<vmem>>[vector<16xi32>, vector<16xi32>], vector<16xf32>, vector<16xi1>
      %eq3A_138 = arith.constant 11 : i32
      %eq3A_139 = vector.broadcast %eq3A_138 : i32 to vector<16xi32>
      %eq3A_140 = arith.cmpi eq, %iota3A_43, %eq3A_139 : vector<16xi32>
      tpu.vector_store_idx %arg9[%shift_right_logical3A_102, %and3A_104], %broadcast_in_dim3A_45 masked %eq3A_140 {add = true} : memref<64x128xf32, #tpu.memory_space<vmem>>[vector<16xi32>, vector<16xi32>], vector<16xf32>, vector<16xi1>
      %eq3A_141 = arith.constant 12 : i32
      %eq3A_142 = vector.broadcast %eq3A_141 : i32 to vector<16xi32>
      %eq3A_143 = arith.cmpi eq, %iota3A_43, %eq3A_142 : vector<16xi32>
      tpu.vector_store_idx %arg9[%shift_right_logical3A_102, %and3A_104], %broadcast_in_dim3A_45 masked %eq3A_143 {add = true} : memref<64x128xf32, #tpu.memory_space<vmem>>[vector<16xi32>, vector<16xi32>], vector<16xf32>, vector<16xi1>
      %eq3A_144 = arith.constant 13 : i32
      %eq3A_145 = vector.broadcast %eq3A_144 : i32 to vector<16xi32>
      %eq3A_146 = arith.cmpi eq, %iota3A_43, %eq3A_145 : vector<16xi32>
      tpu.vector_store_idx %arg9[%shift_right_logical3A_102, %and3A_104], %broadcast_in_dim3A_45 masked %eq3A_146 {add = true} : memref<64x128xf32, #tpu.memory_space<vmem>>[vector<16xi32>, vector<16xi32>], vector<16xf32>, vector<16xi1>
      %eq3A_147 = arith.constant 14 : i32
      %eq3A_148 = vector.broadcast %eq3A_147 : i32 to vector<16xi32>
      %eq3A_149 = arith.cmpi eq, %iota3A_43, %eq3A_148 : vector<16xi32>
      tpu.vector_store_idx %arg9[%shift_right_logical3A_102, %and3A_104], %broadcast_in_dim3A_45 masked %eq3A_149 {add = true} : memref<64x128xf32, #tpu.memory_space<vmem>>[vector<16xi32>, vector<16xi32>], vector<16xf32>, vector<16xi1>
      %eq3A_150 = arith.constant 15 : i32
      %eq3A_151 = vector.broadcast %eq3A_150 : i32 to vector<16xi32>
      %eq3A_152 = arith.cmpi eq, %iota3A_43, %eq3A_151 : vector<16xi32>
      tpu.vector_store_idx %arg9[%shift_right_logical3A_102, %and3A_104], %broadcast_in_dim3A_45 masked %eq3A_152 {add = true} : memref<64x128xf32, #tpu.memory_space<vmem>>[vector<16xi32>, vector<16xi32>], vector<16xf32>, vector<16xi1>
      %scan3A_153 = arith.constant 0 : i32
      scf.yield %scan3A_153 : i32
    }
    %scan3A_52 = arith.constant 32 : i32
    %dma_wait3A = arith.constant 0 : i32
    %dma_wait3A_53 = tpu.memref_slice %arg6[%dma_wait3A] : memref<512xi32, #tpu.memory_space<vmem>> -> memref<128xi32, #tpu.memory_space<vmem>>
    %dma_wait3A_54 = arith.constant 0 : i32
    %dma_wait3A_55 = arith.constant 0 : i32
    %dma_wait3A_56 = tpu.memref_slice %arg2[%dma_wait3A_54, %dma_wait3A_55] : memref<8192x256xf32, #tpu.memory_space<hbm>> -> memref<8192x256xf32, #tpu.memory_space<hbm>>
    tpu.wait_indirect_dma semaphore(%arg12 : memref<!tpu.dma_semaphore, #tpu.memory_space<semaphore_mem>>) src(%dma_wait3A_56 : memref<8192x256xf32, #tpu.memory_space<hbm>>) dst(%arg7 : memref<128x256xf32, #tpu.memory_space<vmem>>)
    %add3A_57 = arith.constant 0 : i32
    %add3A_58 = arith.addi %mul3A_2, %add3A_57 : i32
    "tpu.region"() ({
      %run_scoped3A = tpu.sem_alloc : memref<!tpu.dma_semaphore, #tpu.memory_space<semaphore_mem>>
      %dma_start3A_96 = arith.constant 0 : i32
      %dma_start3A_97 = tpu.memref_slice %arg4[%add3A_58, %dma_start3A_96] : memref<16384x256xf32, #tpu.memory_space<hbm>> -> memref<128x256xf32, #tpu.memory_space<hbm>>
      %dma_start3A_98 = arith.constant 0 : i32
      %dma_start3A_99 = tpu.memref_slice %arg4[%add3A_58, %dma_start3A_98] : memref<16384x256xf32, #tpu.memory_space<hbm>> -> memref<128x256xf32, #tpu.memory_space<hbm>>
      tpu.enqueue_dma source(%arg7 : memref<128x256xf32, #tpu.memory_space<vmem>>) target(%dma_start3A_99 : memref<128x256xf32, #tpu.memory_space<hbm>>) target_semaphore(%run_scoped3A : memref<!tpu.dma_semaphore, #tpu.memory_space<semaphore_mem>>)
      %dma_wait3A_100 = arith.constant 0 : i32
      %dma_wait3A_101 = tpu.memref_slice %arg4[%add3A_58, %dma_wait3A_100] : memref<16384x256xf32, #tpu.memory_space<hbm>> -> memref<128x256xf32, #tpu.memory_space<hbm>>
      %dma_wait3A_102 = arith.constant 0 : i32
      %dma_wait3A_103 = tpu.memref_slice %arg4[%add3A_58, %dma_wait3A_102] : memref<16384x256xf32, #tpu.memory_space<hbm>> -> memref<128x256xf32, #tpu.memory_space<hbm>>
      tpu.wait_dma2 semaphore(%run_scoped3A : memref<!tpu.dma_semaphore, #tpu.memory_space<semaphore_mem>>) src(%arg7 : memref<128x256xf32, #tpu.memory_space<vmem>>) dst(%dma_wait3A_103 : memref<128x256xf32, #tpu.memory_space<hbm>>)
      tpu.yield
    }) : () -> ()
    %dma_start3A_59 = arith.constant 256 : i32
    %dma_start3A_60 = tpu.memref_slice %arg6[%dma_start3A_59] : memref<512xi32, #tpu.memory_space<vmem>> -> memref<128xi32, #tpu.memory_space<vmem>>
    %dma_start3A_61 = arith.constant 0 : i32
    %dma_start3A_62 = arith.constant 0 : i32
    %dma_start3A_63 = tpu.memref_slice %arg2[%dma_start3A_61, %dma_start3A_62] : memref<8192x256xf32, #tpu.memory_space<hbm>> -> memref<8192x256xf32, #tpu.memory_space<hbm>>
    tpu.enqueue_indirect_dma source(%dma_start3A_63 : memref<8192x256xf32, #tpu.memory_space<hbm>>) target(%arg7 : memref<128x256xf32, #tpu.memory_space<vmem>>) offsets(%dma_start3A_60 : memref<128xi32, #tpu.memory_space<vmem>>) semaphore(%arg12 : memref<!tpu.dma_semaphore, #tpu.memory_space<semaphore_mem>>)
    %dma_wait3A_64 = arith.constant 128 : i32
    %dma_wait3A_65 = tpu.memref_slice %arg6[%dma_wait3A_64] : memref<512xi32, #tpu.memory_space<vmem>> -> memref<128xi32, #tpu.memory_space<vmem>>
    %dma_wait3A_66 = arith.constant 0 : i32
    %dma_wait3A_67 = arith.constant 0 : i32
    %dma_wait3A_68 = tpu.memref_slice %arg2[%dma_wait3A_66, %dma_wait3A_67] : memref<8192x256xf32, #tpu.memory_space<hbm>> -> memref<8192x256xf32, #tpu.memory_space<hbm>>
    tpu.wait_indirect_dma semaphore(%arg13 : memref<!tpu.dma_semaphore, #tpu.memory_space<semaphore_mem>>) src(%dma_wait3A_68 : memref<8192x256xf32, #tpu.memory_space<hbm>>) dst(%arg8 : memref<128x256xf32, #tpu.memory_space<vmem>>)
    %add3A_69 = arith.constant 128 : i32
    %add3A_70 = arith.addi %mul3A_2, %add3A_69 : i32
    "tpu.region"() ({
      %run_scoped3A = tpu.sem_alloc : memref<!tpu.dma_semaphore, #tpu.memory_space<semaphore_mem>>
      %dma_start3A_96 = arith.constant 0 : i32
      %dma_start3A_97 = tpu.memref_slice %arg4[%add3A_70, %dma_start3A_96] : memref<16384x256xf32, #tpu.memory_space<hbm>> -> memref<128x256xf32, #tpu.memory_space<hbm>>
      %dma_start3A_98 = arith.constant 0 : i32
      %dma_start3A_99 = tpu.memref_slice %arg4[%add3A_70, %dma_start3A_98] : memref<16384x256xf32, #tpu.memory_space<hbm>> -> memref<128x256xf32, #tpu.memory_space<hbm>>
      tpu.enqueue_dma source(%arg8 : memref<128x256xf32, #tpu.memory_space<vmem>>) target(%dma_start3A_99 : memref<128x256xf32, #tpu.memory_space<hbm>>) target_semaphore(%run_scoped3A : memref<!tpu.dma_semaphore, #tpu.memory_space<semaphore_mem>>)
      %dma_wait3A_100 = arith.constant 0 : i32
      %dma_wait3A_101 = tpu.memref_slice %arg4[%add3A_70, %dma_wait3A_100] : memref<16384x256xf32, #tpu.memory_space<hbm>> -> memref<128x256xf32, #tpu.memory_space<hbm>>
      %dma_wait3A_102 = arith.constant 0 : i32
      %dma_wait3A_103 = tpu.memref_slice %arg4[%add3A_70, %dma_wait3A_102] : memref<16384x256xf32, #tpu.memory_space<hbm>> -> memref<128x256xf32, #tpu.memory_space<hbm>>
      tpu.wait_dma2 semaphore(%run_scoped3A : memref<!tpu.dma_semaphore, #tpu.memory_space<semaphore_mem>>) src(%arg8 : memref<128x256xf32, #tpu.memory_space<vmem>>) dst(%dma_wait3A_103 : memref<128x256xf32, #tpu.memory_space<hbm>>)
      tpu.yield
    }) : () -> ()
    %dma_start3A_71 = arith.constant 384 : i32
    %dma_start3A_72 = tpu.memref_slice %arg6[%dma_start3A_71] : memref<512xi32, #tpu.memory_space<vmem>> -> memref<128xi32, #tpu.memory_space<vmem>>
    %dma_start3A_73 = arith.constant 0 : i32
    %dma_start3A_74 = arith.constant 0 : i32
    %dma_start3A_75 = tpu.memref_slice %arg2[%dma_start3A_73, %dma_start3A_74] : memref<8192x256xf32, #tpu.memory_space<hbm>> -> memref<8192x256xf32, #tpu.memory_space<hbm>>
    tpu.enqueue_indirect_dma source(%dma_start3A_75 : memref<8192x256xf32, #tpu.memory_space<hbm>>) target(%arg8 : memref<128x256xf32, #tpu.memory_space<vmem>>) offsets(%dma_start3A_72 : memref<128xi32, #tpu.memory_space<vmem>>) semaphore(%arg13 : memref<!tpu.dma_semaphore, #tpu.memory_space<semaphore_mem>>)
    %dma_wait3A_76 = arith.constant 256 : i32
    %dma_wait3A_77 = tpu.memref_slice %arg6[%dma_wait3A_76] : memref<512xi32, #tpu.memory_space<vmem>> -> memref<128xi32, #tpu.memory_space<vmem>>
    %dma_wait3A_78 = arith.constant 0 : i32
    %dma_wait3A_79 = arith.constant 0 : i32
    %dma_wait3A_80 = tpu.memref_slice %arg2[%dma_wait3A_78, %dma_wait3A_79] : memref<8192x256xf32, #tpu.memory_space<hbm>> -> memref<8192x256xf32, #tpu.memory_space<hbm>>
    tpu.wait_indirect_dma semaphore(%arg12 : memref<!tpu.dma_semaphore, #tpu.memory_space<semaphore_mem>>) src(%dma_wait3A_80 : memref<8192x256xf32, #tpu.memory_space<hbm>>) dst(%arg7 : memref<128x256xf32, #tpu.memory_space<vmem>>)
    %add3A_81 = arith.constant 256 : i32
    %add3A_82 = arith.addi %mul3A_2, %add3A_81 : i32
    "tpu.region"() ({
      %run_scoped3A = tpu.sem_alloc : memref<!tpu.dma_semaphore, #tpu.memory_space<semaphore_mem>>
      %dma_start3A_96 = arith.constant 0 : i32
      %dma_start3A_97 = tpu.memref_slice %arg4[%add3A_82, %dma_start3A_96] : memref<16384x256xf32, #tpu.memory_space<hbm>> -> memref<128x256xf32, #tpu.memory_space<hbm>>
      %dma_start3A_98 = arith.constant 0 : i32
      %dma_start3A_99 = tpu.memref_slice %arg4[%add3A_82, %dma_start3A_98] : memref<16384x256xf32, #tpu.memory_space<hbm>> -> memref<128x256xf32, #tpu.memory_space<hbm>>
      tpu.enqueue_dma source(%arg7 : memref<128x256xf32, #tpu.memory_space<vmem>>) target(%dma_start3A_99 : memref<128x256xf32, #tpu.memory_space<hbm>>) target_semaphore(%run_scoped3A : memref<!tpu.dma_semaphore, #tpu.memory_space<semaphore_mem>>)
      %dma_wait3A_100 = arith.constant 0 : i32
      %dma_wait3A_101 = tpu.memref_slice %arg4[%add3A_82, %dma_wait3A_100] : memref<16384x256xf32, #tpu.memory_space<hbm>> -> memref<128x256xf32, #tpu.memory_space<hbm>>
      %dma_wait3A_102 = arith.constant 0 : i32
      %dma_wait3A_103 = tpu.memref_slice %arg4[%add3A_82, %dma_wait3A_102] : memref<16384x256xf32, #tpu.memory_space<hbm>> -> memref<128x256xf32, #tpu.memory_space<hbm>>
      tpu.wait_dma2 semaphore(%run_scoped3A : memref<!tpu.dma_semaphore, #tpu.memory_space<semaphore_mem>>) src(%arg7 : memref<128x256xf32, #tpu.memory_space<vmem>>) dst(%dma_wait3A_103 : memref<128x256xf32, #tpu.memory_space<hbm>>)
      tpu.yield
    }) : () -> ()
    %dma_wait3A_83 = arith.constant 384 : i32
    %dma_wait3A_84 = tpu.memref_slice %arg6[%dma_wait3A_83] : memref<512xi32, #tpu.memory_space<vmem>> -> memref<128xi32, #tpu.memory_space<vmem>>
    %dma_wait3A_85 = arith.constant 0 : i32
    %dma_wait3A_86 = arith.constant 0 : i32
    %dma_wait3A_87 = tpu.memref_slice %arg2[%dma_wait3A_85, %dma_wait3A_86] : memref<8192x256xf32, #tpu.memory_space<hbm>> -> memref<8192x256xf32, #tpu.memory_space<hbm>>
    tpu.wait_indirect_dma semaphore(%arg13 : memref<!tpu.dma_semaphore, #tpu.memory_space<semaphore_mem>>) src(%dma_wait3A_87 : memref<8192x256xf32, #tpu.memory_space<hbm>>) dst(%arg8 : memref<128x256xf32, #tpu.memory_space<vmem>>)
    %add3A_88 = arith.constant 384 : i32
    %add3A_89 = arith.addi %mul3A_2, %add3A_88 : i32
    "tpu.region"() ({
      %run_scoped3A = tpu.sem_alloc : memref<!tpu.dma_semaphore, #tpu.memory_space<semaphore_mem>>
      %dma_start3A_96 = arith.constant 0 : i32
      %dma_start3A_97 = tpu.memref_slice %arg4[%add3A_89, %dma_start3A_96] : memref<16384x256xf32, #tpu.memory_space<hbm>> -> memref<128x256xf32, #tpu.memory_space<hbm>>
      %dma_start3A_98 = arith.constant 0 : i32
      %dma_start3A_99 = tpu.memref_slice %arg4[%add3A_89, %dma_start3A_98] : memref<16384x256xf32, #tpu.memory_space<hbm>> -> memref<128x256xf32, #tpu.memory_space<hbm>>
      tpu.enqueue_dma source(%arg8 : memref<128x256xf32, #tpu.memory_space<vmem>>) target(%dma_start3A_99 : memref<128x256xf32, #tpu.memory_space<hbm>>) target_semaphore(%run_scoped3A : memref<!tpu.dma_semaphore, #tpu.memory_space<semaphore_mem>>)
      %dma_wait3A_100 = arith.constant 0 : i32
      %dma_wait3A_101 = tpu.memref_slice %arg4[%add3A_89, %dma_wait3A_100] : memref<16384x256xf32, #tpu.memory_space<hbm>> -> memref<128x256xf32, #tpu.memory_space<hbm>>
      %dma_wait3A_102 = arith.constant 0 : i32
      %dma_wait3A_103 = tpu.memref_slice %arg4[%add3A_89, %dma_wait3A_102] : memref<16384x256xf32, #tpu.memory_space<hbm>> -> memref<128x256xf32, #tpu.memory_space<hbm>>
      tpu.wait_dma2 semaphore(%run_scoped3A : memref<!tpu.dma_semaphore, #tpu.memory_space<semaphore_mem>>) src(%arg8 : memref<128x256xf32, #tpu.memory_space<vmem>>) dst(%dma_wait3A_103 : memref<128x256xf32, #tpu.memory_space<hbm>>)
      tpu.yield
    }) : () -> ()
    %barrier3A = arith.constant 0 : index
    tpu.barrier barrier_id(%barrier3A)
    "tpu.region"() ({
      %run_scoped3A = tpu.sem_alloc : memref<!tpu.dma_semaphore, #tpu.memory_space<semaphore_mem>>
      %dma_start3A_96 = arith.constant 0 : i32
      %dma_start3A_97 = arith.constant 0 : i32
      %dma_start3A_98 = tpu.memref_slice %arg11[%dma_start3A_96, %dma_start3A_97] : memref<64x128xf32, #tpu.memory_space<vmem_shared>> -> memref<64x128xf32, #tpu.memory_space<vmem_shared>>
      tpu.enqueue_indirect_dma source(%arg9 : memref<64x128xf32, #tpu.memory_space<vmem>>) target(%dma_start3A_98 : memref<64x128xf32, #tpu.memory_space<vmem_shared>>) offsets(%arg10 : memref<64xi32, #tpu.memory_space<vmem>>) semaphore(%run_scoped3A : memref<!tpu.dma_semaphore, #tpu.memory_space<semaphore_mem>>) {add = true}
      %dma_wait3A_99 = arith.constant 0 : i32
      %dma_wait3A_100 = arith.constant 0 : i32
      %dma_wait3A_101 = tpu.memref_slice %arg11[%dma_wait3A_99, %dma_wait3A_100] : memref<64x128xf32, #tpu.memory_space<vmem_shared>> -> memref<64x128xf32, #tpu.memory_space<vmem_shared>>
      tpu.wait_indirect_dma semaphore(%run_scoped3A : memref<!tpu.dma_semaphore, #tpu.memory_space<semaphore_mem>>) src(%arg9 : memref<64x128xf32, #tpu.memory_space<vmem>>) dst(%dma_wait3A_101 : memref<64x128xf32, #tpu.memory_space<vmem_shared>>)
      tpu.yield
    }) : () -> ()
    %barrier3A_90 = arith.constant 0 : index
    tpu.barrier barrier_id(%barrier3A_90)
    %eq3A_91 = arith.constant 0 : i32
    %eq3A_92 = arith.cmpi eq, %arg1, %eq3A_91 : i32
    %convert_element_type3A_93 = arith.extui %eq3A_92 : i1 to i32
    %cond3A_94 = arith.constant 0 : i32
    %cond3A_95 = arith.cmpi ne, %convert_element_type3A_93, %cond3A_94 : i32
    scf.if %cond3A_95 {
      "tpu.region"() ({
        %run_scoped3A = tpu.sem_alloc : memref<!tpu.dma_semaphore, #tpu.memory_space<semaphore_mem>>
        %dma_start3A_96 = arith.constant 0 : i32
        %dma_start3A_97 = arith.constant 0 : i32
        %dma_start3A_98 = tpu.memref_slice %arg5[%arg0, %dma_start3A_96, %dma_start3A_97] : memref<2x64x128xf32, #tpu.memory_space<hbm>> -> memref<1x64x128xf32, #tpu.memory_space<hbm>>
        %dma_start3A_99 = tpu.memref_squeeze %dma_start3A_98 : memref<1x64x128xf32, #tpu.memory_space<hbm>> -> memref<64x128xf32, #tpu.memory_space<hbm>>
        tpu.enqueue_dma source(%arg11 : memref<64x128xf32, #tpu.memory_space<vmem_shared>>) target(%dma_start3A_99 : memref<64x128xf32, #tpu.memory_space<hbm>>) target_semaphore(%run_scoped3A : memref<!tpu.dma_semaphore, #tpu.memory_space<semaphore_mem>>)
        %dma_wait3A_100 = arith.constant 0 : i32
        %dma_wait3A_101 = arith.constant 0 : i32
        %dma_wait3A_102 = tpu.memref_slice %arg5[%arg0, %dma_wait3A_100, %dma_wait3A_101] : memref<2x64x128xf32, #tpu.memory_space<hbm>> -> memref<1x64x128xf32, #tpu.memory_space<hbm>>
        %dma_wait3A_103 = tpu.memref_squeeze %dma_wait3A_102 : memref<1x64x128xf32, #tpu.memory_space<hbm>> -> memref<64x128xf32, #tpu.memory_space<hbm>>
        tpu.wait_dma2 semaphore(%run_scoped3A : memref<!tpu.dma_semaphore, #tpu.memory_space<semaphore_mem>>) src(%arg11 : memref<64x128xf32, #tpu.memory_space<vmem_shared>>) dst(%dma_wait3A_103 : memref<64x128xf32, #tpu.memory_space<hbm>>)
        tpu.yield
      }) : () -> ()
    } else {
    }
    return
  }
}

module attributes {stable_mosaic.version = 14 : i64} {
  func.func @body(%arg0: i32, %arg1: memref<1024x256xbf16, #tpu.memory_space<vmem>>, %arg2: memref<8192x256xbf16, #tpu.memory_space<vmem>>, %arg3: memref<1024xi32, #tpu.memory_space<vmem>>, %arg4: memref<1024xf32, #tpu.memory_space<vmem>>) attributes {dimension_semantics = [#tpu.dimension_semantics<arbitrary>], iteration_bounds = array<i64: 16>, scalar_prefetch = 0 : i64, scratch_operands = 0 : i64, tpu.core_type = #tpu.core_type<tc>, window_params = [{transform_indices = @transform_0, window_bounds = array<i64: 1024, 256>}, {pipeline_mode = #tpu.pipeline_mode<synchronous>, transform_indices = @transform_1, window_bounds = array<i64: 8192, 256>}, {transform_indices = @transform_2, window_bounds = array<i64: 1024>}, {transform_indices = @transform_3, window_bounds = array<i64: 1024>}]} {
    %get3A = arith.constant 0 : index
    %get3A_0 = arith.constant 0 : index
    %get3A_1 = vector.load %arg1[%get3A, %get3A_0] : memref<1024x256xbf16, #tpu.memory_space<vmem>>, vector<1024x256xbf16>
    %get3A_2 = arith.constant 0 : index
    %get3A_3 = arith.constant 0 : index
    %get3A_4 = vector.load %arg2[%get3A_2, %get3A_3] : memref<8192x256xbf16, #tpu.memory_space<vmem>>, vector<8192x256xbf16>
    %dot_general3A = arith.constant dense<0.000000e+00> : vector<1024x8192xf32>
    %dot_general3A_5 = tpu.matmul %get3A_1, %get3A_4, %dot_general3A {dimension_numbers = #tpu.dot_dimension_numbers<[1], [1], [0], [0], [0, 0, 1, 0], [], []>, transpose_lhs_hint = false} : vector<1024x256xbf16>, vector<8192x256xbf16>, vector<1024x8192xf32> -> vector<1024x8192xf32>
    %reduce_max3A = arith.constant dense<0xFF800000> : vector<1024xf32>
    %reduce_max3A_6 = vector.multi_reduction <maximumf>, %dot_general3A_5, %reduce_max3A [1] : vector<1024x8192xf32> to vector<1024xf32>
    %argmax3A = tpu.reduce_index %dot_general3A_5 {axis = 1 : i32, kind = #tpu.reduction_kind<arg_max>} : vector<1024x8192xf32> -> vector<1024xi32>
    %swap3A = arith.constant 0 : index
    %swap3A_7 = vector.load %arg3[%swap3A] : memref<1024xi32, #tpu.memory_space<vmem>>, vector<1024xi32>
    tpu.vector_store %arg3[%swap3A], %argmax3A {strides = array<i32>} : memref<1024xi32, #tpu.memory_space<vmem>>, vector<1024xi32>,
    %swap3A_8 = arith.constant 0 : index
    %swap3A_9 = vector.load %arg4[%swap3A_8] : memref<1024xf32, #tpu.memory_space<vmem>>, vector<1024xf32>
    tpu.vector_store %arg4[%swap3A_8], %reduce_max3A_6 {strides = array<i32>} : memref<1024xf32, #tpu.memory_space<vmem>>, vector<1024xf32>,
    return
  }
  func.func @transform_0(%arg0: i32) -> (i32, i32) {
    %c0_i32 = arith.constant 0 : i32
    %c0_i32_0 = arith.constant 0 : i32
    return %arg0, %c0_i32 : i32, i32
  }
  func.func @transform_1(%arg0: i32) -> (i32, i32) {
    %c0_i32 = arith.constant 0 : i32
    %c0_i32_0 = arith.constant 0 : i32
    %c0_i32_1 = arith.constant 0 : i32
    return %c0_i32, %c0_i32_0 : i32, i32
  }
  func.func @transform_2(%arg0: i32) -> i32 {
    %c0_i32 = arith.constant 0 : i32
    return %arg0 : i32
  }
  func.func @transform_3(%arg0: i32) -> i32 {
    %c0_i32 = arith.constant 0 : i32
    return %arg0 : i32
  }
}

module attributes {stable_mosaic.version = 14 : i64} {
  func.func @body(%arg0: memref<128x128xf32, #tpu.memory_space<vmem>>, %arg1: memref<2x64x128xf32, #tpu.memory_space<vmem>>, %arg2: memref<1x1xf32, #tpu.memory_space<vmem>>, %arg3: memref<1x1xf32, #tpu.memory_space<vmem>>) attributes {dimension_semantics = [], scalar_prefetch = 0 : i64, scratch_operands = 0 : i64, tpu.core_type = #tpu.core_type<tc>} {
    %get3A = arith.constant 0 : index
    %get3A_0 = arith.constant 0 : index
    %get3A_1 = vector.load %arg0[%get3A, %get3A_0] : memref<128x128xf32, #tpu.memory_space<vmem>>, vector<128x128xf32>
    %reduce_sum3A = vector.shape_cast %get3A_1 : vector<128x128xf32> to vector<1x128x128xf32>
    %reduce_sum3A_2 = arith.constant dense<0.000000e+00> : vector<1xf32>
    %reduce_sum3A_3 = vector.multi_reduction <add>, %reduce_sum3A, %reduce_sum3A_2 [1, 2] : vector<1x128x128xf32> to vector<1xf32>
    %reduce_sum3A_4 = vector.shape_cast %reduce_sum3A_3 : vector<1xf32> to vector<1x1x1xf32>
    %reduce_sum3A_5 = vector.extract %reduce_sum3A_4[0, 0, 0] : f32 from vector<1x1x1xf32>
    %mul3A = arith.constant 6.10351563E-5 : f32
    %mul3A_6 = arith.mulf %reduce_sum3A_5, %mul3A : f32
    %mul3A_7 = arith.constant 2.000000e+00 : f32
    %mul3A_8 = arith.mulf %mul3A_7, %mul3A_6 : f32
    %sub3A = arith.constant 2.000000e+00 : f32
    %sub3A_9 = arith.subf %sub3A, %mul3A_8 : f32
    %mul3A_10 = arith.constant 1.250000e+00 : f32
    %mul3A_11 = arith.mulf %mul3A_10, %sub3A_9 : f32
    %mul3A_12 = arith.constant 3.906250e-03 : f32
    %mul3A_13 = arith.mulf %mul3A_11, %mul3A_12 : f32
    %broadcast_in_dim3A = vector.broadcast %mul3A_13 : f32 to vector<1x1xf32>
    %swap3A = arith.constant 0 : index
    %swap3A_14 = arith.constant 0 : index
    %swap3A_15 = vector.load %arg2[%swap3A, %swap3A_14] : memref<1x1xf32, #tpu.memory_space<vmem>>, vector<1x1xf32>
    tpu.vector_store %arg2[%swap3A, %swap3A_14], %broadcast_in_dim3A {strides = array<i32>} : memref<1x1xf32, #tpu.memory_space<vmem>>, vector<1x1xf32>,
    %get3A_16 = arith.constant 0 : index
    %get3A_17 = arith.constant 0 : index
    %get3A_18 = arith.constant 0 : index
    %get3A_19 = vector.load %arg1[%get3A_16, %get3A_17, %get3A_18] : memref<2x64x128xf32, #tpu.memory_space<vmem>>, vector<1x64x128xf32>
    %get3A_20 = vector.shape_cast %get3A_19 : vector<1x64x128xf32> to vector<64x128xf32>
    %get3A_21 = arith.constant 1 : index
    %get3A_22 = arith.constant 0 : index
    %get3A_23 = arith.constant 0 : index
    %get3A_24 = vector.load %arg1[%get3A_21, %get3A_22, %get3A_23] : memref<2x64x128xf32, #tpu.memory_space<vmem>>, vector<1x64x128xf32>
    %get3A_25 = vector.shape_cast %get3A_24 : vector<1x64x128xf32> to vector<64x128xf32>
    %add3A = arith.addf %get3A_20, %get3A_25 : vector<64x128xf32>
    %mul3A_26 = arith.constant 6.10351563E-5 : f32
    %mul3A_27 = vector.broadcast %mul3A_26 : f32 to vector<64x128xf32>
    %mul3A_28 = arith.mulf %add3A, %mul3A_27 : vector<64x128xf32>
    %add3A_29 = arith.constant 1.000000e-10 : f32
    %add3A_30 = vector.broadcast %add3A_29 : f32 to vector<64x128xf32>
    %add3A_31 = arith.addf %mul3A_28, %add3A_30 : vector<64x128xf32>
    %log3A = math.log %add3A_31 : vector<64x128xf32>
    %mul3A_32 = arith.mulf %mul3A_28, %log3A : vector<64x128xf32>
    %reduce_sum3A_33 = vector.shape_cast %mul3A_32 : vector<64x128xf32> to vector<1x64x128xf32>
    %reduce_sum3A_34 = arith.constant dense<0.000000e+00> : vector<1xf32>
    %reduce_sum3A_35 = vector.multi_reduction <add>, %reduce_sum3A_33, %reduce_sum3A_34 [1, 2] : vector<1x64x128xf32> to vector<1xf32>
    %reduce_sum3A_36 = vector.shape_cast %reduce_sum3A_35 : vector<1xf32> to vector<1x1x1xf32>
    %reduce_sum3A_37 = vector.extract %reduce_sum3A_36[0, 0, 0] : f32 from vector<1x1x1xf32>
    %neg3A = arith.constant 0.000000e+00 : f32
    %neg3A_38 = arith.subf %neg3A, %reduce_sum3A_37 : f32
    %exp3A = math.exp %neg3A_38 : f32
    %broadcast_in_dim3A_39 = vector.broadcast %exp3A : f32 to vector<1x1xf32>
    %swap3A_40 = arith.constant 0 : index
    %swap3A_41 = arith.constant 0 : index
    %swap3A_42 = vector.load %arg3[%swap3A_40, %swap3A_41] : memref<1x1xf32, #tpu.memory_space<vmem>>, vector<1x1xf32>
    tpu.vector_store %arg3[%swap3A_40, %swap3A_41], %broadcast_in_dim3A_39 {strides = array<i32>} : memref<1x1xf32, #tpu.memory_space<vmem>>, vector<1x1xf32>,
    return
  }
}

</mosaic_0001>

<sc_bundles>
// kernel: kernel.5.cloned.1.call-start
scs
__scs_entry_jumppad:
0x0: {  	(pc) =	sbr.rel $0x88, $3  }
0x1: {  	(tag) =	ssettag $0x0;
	lr =	simm.s32 $0x1  }
0x2: {  	[smem:$0x3F9F] =	sst lr;
	_ =	strace $0xD0000000  }
0x3: {  	_ = 	snop  }
0x4: {  	_ = 	snop  }
0x5: {  	_ = 	snop  }
0x6: {  	_ = 	snop  }
0x7: {  	_ = 	snop  }
__scs_overlays_trampoline_lowered:
0x8: {  	[smem:$0x3FAE] =	sst s0  }
0x9: {  	[smem:$0x3FAF] =	sst s1  }
0xa: {  	[smem:$0x3FB0] =	sst s2  }
0xb: {  	[smem:$0x3FB1] =	sst s3  }
0xc: {  	[smem:$0x3FB2] =	sst s4  }
0xd: {  	[smem:$0x3FB3] =	sst s5  }
0xe: {  	[smem:$0x3FB4] =	sst s6  }
0xf: {  	[smem:$0x3FB5] =	sst s7  }
0x10: {  	[smem:$0x3FB6] =	sst s8  }
0x11: {  	[smem:$0x3FB7] =	sst s9;
	s0 =	simm.s32 @!p0 $0x0  }
0x12: {  	s1 =	sld [smem:$0x3F9D];
	s0 =	simm.s32 @p0 $0x1  }
0x13: {  	[smem:$0x3FB8] =	sst s0;
	s0 =	simm.s32 @!p1 $0x0  }
0x14: {  	s2 =	sld [smem:$0x3F9C];
	s0 =	simm.s32 @p1 $0x1  }
0x15: {  	[smem:$0x3FB9] =	sst s0;
	s0 =	simm.s32 @!p2 $0x0  }
0x16: {  	s3 =	sld [smem:$0x3FDB];
	s0 =	simm.s32 @p2 $0x1  }
0x17: {  	s4 =	simm.s32 $0x1BF5;
	[smem:$0x3FBB] =	sst s0  }
0x18: {  	s0 =	sld [smem:$0x3F9E];
	_ =	swait.ge [sflag:s4], $0x0  }
0x19: {  	s7 =	sld [smem:$0x3F9F]  }
0x1a: {  	s8 =	sadd.s32 $0xFFFFE003, lr  }
0x1b: {  	s9 =	sadd.s32 $0xFFFFFEF7, lr;
	s5 =	simm.s32 $0xFFFFFFFF;
	p2 =	slt.u32 s8, $0xFFFFF086  }
0x1c: {  	p1 =	slt.u32 s9, $0xF7A;
	s5 =	simm.s32 @!p2 $0x0  }
0x1d: {  	s5 =	simm.s32 @p1 $0x1;
	p0 =	seq.s32 s7, s2  }
0x1e: {  	s7 =	smul.u32 @!p0 $0xF7A, s2;
	p2 =	seq.s32 @!p0 s5, $0x0  }
0x1f: {  	s9 =	smul.u32 $0xF7A, s1;
	s8 =	simm.s32 @!p0 $0x1BF5;
	p2 =	por !p2, p0  }
0x20: {  	[sflag:s8] =	ssyncset.s32 @!p0 $0xFFFFF086;
	s6 =	sadd.s32 @!p0 s3, s7;
	s7 =	simm.s32 @!p0 $0x108  }
0x21: {  	s3 =	sadd.s32 s3, s9;
	s6 =	sadd.s32 @!p0 $0x88, s6;
	s7 =	simm.s32 @p2 $0x1082  }
0x22: {  	[simem:s7], [sflag:s8] =	dma.local @!p0 [hbm:s6], $0xF7A  }
0x23: {  	s9 =	sor.u32 $0xD0000000, s2;
	s6 =	simm.s32 $0x108;
	_ =	swait.ge @!p0 [sflag:s8], $0x0  }
0x24: {  	s3 =	sadd.s32 $0x88, s3;
	s6 =	simm.s32 @!p1 $0x1082;
	[sflag:s4] =	ssyncset.s32 $0xFFFFF086  }
0x25: {  	[simem:s6], [sflag:s4] =	dma.local [hbm:s3], $0xF7A  }
0x26: {  	[smem:$0x3F9F] =	sst s1;
	(tag) =	ssettag s2;
	_ =	strace s9  }
0x27: {  	s1 =	sld [smem:$0x3FAF]  }
0x28: {  	s2 =	sld [smem:$0x3FB0]  }
0x29: {  	s4 =	sld [smem:$0x3FB2]  }
0x2a: {  	p0 =	seq.s32 s5, $0x0;
	s5 =	sld [smem:$0x3FB3]  }
0x2b: {  	s6 =	sld [smem:$0x3FB4]  }
0x2c: {  	s7 =	sld [smem:$0x3FB5]  }
0x2d: {  	s3 =	simm.s32 $0x108;
	s8 =	sld [smem:$0x3FB6]  }
0x2e: {  	s3 =	simm.s32 @!p0 $0x1082;
	s9 =	sld [smem:$0x3FB7]  }
0x2f: {  	lr =	sadd.s32 s0, s3;
	s0 =	sld [smem:$0x3FAE]  }
0x30: {  	s3 =	sld [smem:$0x3FB1]  }
0x31: {  	[smem:$0x3FBA] =	sst s10  }
0x32: {  	s10 =	sld [smem:$0x3FB8];
	_ =	sdelay $0x3  }
0x33: {  	p0 =	seq.s32 s10, $0x1;
	s10 =	sld [smem:$0x3FBA];
	_ =	sdelay $0x3  }
0x34: {  	[smem:$0x3FBA] =	sst s10  }
0x35: {  	s10 =	sld [smem:$0x3FB9];
	_ =	sdelay $0x3  }
0x36: {  	p1 =	seq.s32 s10, $0x1;
	s10 =	sld [smem:$0x3FBA];
	_ =	sdelay $0x3  }
0x37: {  	[smem:$0x3FBA] =	sst s10  }
0x38: {  	s10 =	sld [smem:$0x3FBB]  }
0x39: {  	_ = 	snop;
	(pc) =	sbr.ind lr, $3  }
0x3a: {  	_ = 	snop  }
0x3b: {  	_ = 	snop  }
0x3c: {  	p2 =	seq.s32 s10, $0x1;
	s10 =	sld [smem:$0x3FBA]  }
0x3d: {  	_ =	shalt  }
0x3e: {  	_ =	shalt  }
0x3f: {  	_ =	shalt  }
0x40: {  	_ =	shalt  }
0x41: {  	_ =	shalt  }
0x42: {  	_ =	shalt  }
0x43: {  	_ =	shalt  }
0x44: {  	_ =	shalt  }
0x45: {  	_ =	shalt  }
0x46: {  	_ =	shalt  }
0x47: {  	_ =	shalt  }
0x48: {  	_ =	shalt  }
0x49: {  	_ =	shalt  }
0x4a: {  	_ =	shalt  }
0x4b: {  	_ =	shalt  }
0x4c: {  	_ =	shalt  }
0x4d: {  	_ =	shalt  }
0x4e: {  	_ =	shalt  }
0x4f: {  	_ =	shalt  }
0x50: {  	_ =	shalt  }
0x51: {  	_ =	shalt  }
0x52: {  	_ =	shalt  }
0x53: {  	_ =	shalt  }
0x54: {  	_ =	shalt  }
0x55: {  	_ =	shalt  }
0x56: {  	_ =	shalt  }
0x57: {  	_ =	shalt  }
0x58: {  	_ =	shalt  }
0x59: {  	_ =	shalt  }
0x5a: {  	_ =	shalt  }
0x5b: {  	_ =	shalt  }
0x5c: {  	_ =	shalt  }
0x5d: {  	_ =	shalt  }
0x5e: {  	_ =	shalt  }
0x5f: {  	_ =	shalt  }
0x60: {  	_ =	shalt  }
0x61: {  	_ =	shalt  }
0x62: {  	_ =	shalt  }
0x63: {  	_ =	shalt  }
0x64: {  	_ =	shalt  }
0x65: {  	_ =	shalt  }
0x66: {  	_ =	shalt  }
0x67: {  	_ =	shalt  }
0x68: {  	_ =	shalt  }
0x69: {  	_ =	shalt  }
0x6a: {  	_ =	shalt  }
0x6b: {  	_ =	shalt  }
0x6c: {  	_ =	shalt  }
0x6d: {  	_ =	shalt  }
0x6e: {  	_ =	shalt  }
0x6f: {  	_ =	shalt  }
0x70: {  	_ =	shalt  }
0x71: {  	_ =	shalt  }
0x72: {  	_ =	shalt  }
0x73: {  	_ =	shalt  }
0x74: {  	_ =	shalt  }
0x75: {  	_ =	shalt  }
0x76: {  	_ =	shalt  }
0x77: {  	_ =	shalt  }
0x78: {  	_ =	shalt  }
0x79: {  	_ =	shalt  }
0x7a: {  	_ =	shalt  }
0x7b: {  	_ =	shalt  }
0x7c: {  	_ =	shalt  }
0x7d: {  	_ =	shalt  }
0x7e: {  	_ =	shalt  }
0x7f: {  	_ =	shalt  }
0x80: {  	_ =	shalt  }
0x81: {  	_ =	shalt  }
0x82: {  	_ =	shalt  }
0x83: {  	_ =	shalt  }
0x84: {  	_ =	shalt  }
0x85: {  	_ =	shalt  }
0x86: {  	_ =	shalt  }
0x87: {  	_ =	shalt  }
.Lfunc_end0:
.L_simem_size_0:
called_computation_lowered:
.L_overlay_start_0:
0x88: {  	s2 =	sld [smem:$0x3FD9]  }
0x89: {  	s3 =	sld [smem:$0x3FFE];
	_ =	sdelay $0x1  }
0x8a: {  	s1 =	srdreg.scid  }
0x8b: {  	s0 =	sand.u32 $0x1, s1  }
0x8c: {  	s14 =	sshll.u32 s0, $0xA;
	s2 =	sadd.s32 s3, s2  }
0x8d: {  	s2 =	sadd.s32 s2, s14  }
0x8e: {  	[smem:$0x3FC6] =	sst s2  }
0x8f: {  	_ = 	snop  }
0x90: {  	s2 =	sld [smem:$0x3FD0];
	_ =	sdelay $0x2  }
0x91: {  	s15 =	simm.s32 $0xA;
	s4 =	simm.s32 $0x10  }
0x92: {  	[smem:s4], [sflag:s15] =	dma.local [hbm:s2], $0x1  }
0x93: {  	_ =	swait.eq [sflag:s15], $0x1  }
0x94: {  	[sflag:s15] =	ssyncset.done $0x0  }
0x95: {  	[sflag:s15] =	ssyncadd.s32 $0xFFFFFFFF  }
0x96: {  	s16 =	sld [smem:$0x10];
	(tm) =	ssettm $0x1  }
0x97: {  	s17 =	sld [smem:$0x3FFB];
	_ =	sdelay $0x3  }
0x98: {  	_ =	strace s17  }
0x99: {  	s3 =	sld [smem:$0x3FFC];
	_ =	sdelay $0x3  }
0x9a: {  	_ =	strace s3  }
0x9b: {  	s3 =	sld [smem:$0x3FFD];
	_ =	sdelay $0x3  }
0x9c: {  	_ =	strace s3  }
0x9d: {  	_ =	strace $0x8FFFFFFF  }
0x9e: {  	s18 =	sld [smem:$0x3FDB];
	_ =	sdelay $0x1  }
0x9f: {  	s19 =	simm.s32 $_scs_section_size  }
0xa0: {  	s5 =	simm.s32 $_size__tile_overlayer_lowered;
	s6 =	simm.s32 $_tile_overlayer_lowered  }
0xa1: {  	s22 =	simm.s32 $0x1BFF;
	s21 =	sshll.u32 s6, $0x1;
	s3 =	sadd.s32 s19, s18  }
0xa2: {  	s7 =	simm.s32 $0x0;
	s20 =	sshll.u32 s5, $0x1;
	s5 =	sadd.s32 s21, s3  }
0xa3: {  	[timem:s7], [sflag:s22] =	dma.local [hbm:s5], s20  }
0xa4: {  	_ =	swait.ge [sflag:s22], s20  }
0xa5: {  	s4 =	ssub.s32 $0x0, s20;
	[sflag:s22] =	ssyncset.done $0x0  }
0xa6: {  	[sflag:s22] =	ssyncadd.s32 s4;
	_ =	sdelay $0x1  }
0xa7: {  	s23 =	simm.s32 $0x1B8B  }
0xa8: {  	_ =	swait.ge [sflag:s23], $0x1  }
0xa9: {  	[sflag:s23] =	ssyncset.done $0x0  }
0xaa: {  	s25 =	simm.s32 $0x1B8E;
	s24 =	sld [smem:$0x3FFE];
	[sflag:s23] =	ssyncadd.s32 $0xFFFFFFFF  }
0xab: {  	s26 =	simm.s32 $execute0_lowered;
	[smem:$0x3FD2] =	sst s25  }
0xac: {  	s5 =	sshll.u32 s26, $0x1;
	_ =	strace $0x80000046;
	[dreg:$0x1] =	wrdreg $0xFFFFFFFF  }
0xad: {  	s28 =	simm.s32 $_size_execute0_lowered;
	s3 =	sadd.s32 s3, s5;
	[dreg:$0x0] =	wrdreg $0x0  }
0xae: {  	s5 =	sshll.u32 s28, $0x1;
	[dreg:$0x2] =	wrdreg s3  }
0xaf: {  	[dreg:$0x3] =	wrdreg s5  }
0xb0: {  	[dreg:$0x4] =	wrdreg $0xC0  }
0xb1: {  	_ =	task [dreg:s7], $0x5FFFF  }
0xb2: {  	[dreg:$0x1] =	wrdreg $0xFFFFFFFF  }
0xb3: {  	[dreg:$0x0] =	wrdreg $0x60  }
0xb4: {  	[dreg:$0x2] =	wrdreg s24  }
0xb5: {  	[dreg:$0x3] =	wrdreg s16  }
0xb6: {  	[dreg:$0x4] =	wrdreg $0x122800  }
0xb7: {  	[dreg:$0x5] =	wrdreg $0x9  }
0xb8: {  	_ =	task.clear_ibuf [dreg:s7], $0x6FFFF;
	_ =	strace $0x90000046  }
0xb9: {  	s29 =	simm.s32 $0x9;
	_ =	strace $0x80000048  }
0xba: {  	_ =	swait.ge [sflag:s29], $0x1  }
0xbb: {  	[sflag:s29] =	ssyncadd.s32 $0xFFFFFFFF  }
0xbc: {  	_ =	strace $0x90000048  }
0xbd: {  	_ =	sfence  }
0xbe: {  	s30 =	sld [smem:$0x0];
	_ =	sdelay $0x2  }
0xbf: {  	s31 =	sshll.u32 s1, $0xD;
	s1 =	sshrl.u32 s1, $0x2  }
0xc0: {  	s3 =	sand.u32 $0x4000, s31;
	s1 =	sadd.s32 s1, s30  }
0xc1: {  	s0 =	sor.u32 s3, s0;
	s1 =	sshll.u32 s1, $0x11  }
0xc2: {  	s0 =	sor.u32 s1, s0  }
0xc3: {  	s0 =	sadd.s32 $0x8F2B, s0  }
0xc4: {  	[sflag:s0] =	ssyncadd.remote.s32 $0x1  }
0xc5: {  	_ =	sfence.sel $0xFFFF  }
0xc6: {  	[dreg:$0x0] =	wrdreg $0xFFFFFFFF;
	(pc) =	sbr.abs _section_cstart, $3  }
0xc7: {  	[dreg:$0x1] =	wrdreg $0xFFFFFFFF  }
0xc8: {  	_ =	task.clear_ibuf [dreg:s7], $0x2FFFF;
	_ =	strace $0x9FFFFFFF  }
0xc9: {  	(tm) =	ssettm $0x7FFFFFFF  }
tec
execute0_lowered:
.L_overlay_start_1:
0x0: {  	(tag) =	ssettag $0x1  }
0x1: {  	s0 =	rddreg [dreg:$0x0]  }
0x2: {  	s4 =	rddreg [dreg:$0x1]  }
0x3: {  	s2 =	srdreg.scid;
	s10 =	stileid.u32;
	s29 =	simm.s32 $0x200  }
0x4: {  	s14 =	simm.s32 $0x5200;
	s15 =	simm.s32 $0x5A00;
	s6 =	simm.s32 $0x6200  }
0x5: {  	s16 =	simm.s32 $0x6A00;
	s17 =	simm.s32 $0x7A00;
	s20 =	simm.s32 $0x8200  }
0x6: {  	s18 =	simm.s32 $0x9200;
	s19 =	simm.s32 $0xA200;
	s1 =	simm.s32 $0xB200  }
0x7: {  	s12 =	simm.s32 $0xBA00;
	s11 =	simm.s32 $0xD200;
	s28 =	simm.s32 $0xDA00  }
0x8: {  	s30 =	simm.s32 $0xE200;
	s31 =	simm.s32 $0xEA00;
	s13 =	simm.s32 $0xFA00  }
0x9: {  	s5 =	sand.u32 $0x1, s2;
	s2 =	simm.s32 $0x0;
	s3 =	sshll.u32 s10, $0xA  }
0xa: {  	p0 =	sne.s32 s10, $0x0;
	s10 =	simm.s32 $0x10200;
	s7 =	sshll.u32 s5, $0x9  }
0xb: {  	[smem:$0x7FF] =	sst s2;
	s9 =	sshll.u32 s5, $0xA;
	s5 =	ssub.s32 $0x2, s5  }
0xc: {  	s7 =	sor.u32 s7, s3;
	_ =	strace $0x80000047;
	s3 =	sadd.s32 $0x22000, s0  }
0xd: {  	s21 =	sshrl.u32 s5, $0x1;
	s8 =	sshrl.u32 s7, $0x3;
	s7 =	sshll.u32 s7, $0x5  }
0xe: {  	s8 =	sadd.s32 s8, s0;
	s0 =	sadd.s32 s9, s0;
	s23 =	sadd.s32 s4, s7  }
0xf: {  	v0 =	vlaneseq.u32;
	vm0 =	vmmov $0xffff;
	s9 =	ssub.s32 s5, s21;
	s22 =	sadd.s32 $0x62000, s8;
	[dreg:$0xa] =	wrdreg s23  }
0x10: {  	v4 =	vimm.f32 $0.0e+00;
	v8 =	vimm.f32 $1.000000000e+00;
	vm1 =	vcmask $0x704;
	s7 =	simm.s32 $0x7200;
	s4 =	sadd.s32 $0x1000, s23;
	[dreg:$0x4] =	wrdreg s22  }
0x11: {  	vm2 =	vcmask $0xB08;
	vm3 =	vcmask $0xF0C;
	vm4 =	vcmask $0x1310;
	s5 =	simm.s32 $0xAA00;
	s24 =	sadd.s32 $0x2000, s23;
	[dreg:$0x5] =	wrdreg s4  }
0x12: {  	vm5 =	vcmask $0x1714;
	vm6 =	vcmask $0x1B18;
	vm7 =	vcmask $0x1F1C;
	s21 =	simm.s32 $0xC200;
	s25 =	sadd.s32 $0x3000, s23;
	[dreg:$0x6] =	wrdreg s24  }
0x13: {  	vm8 =	vcmask $0x2320;
	vm9 =	vcmask $0x2724;
	vm15 =	vcmask $0x3F3C;
	s0 =	sadd.s32 $0x2000, s0;
	s26 =	smax.u32 s9, $0x1;
	[dreg:$0x7] =	wrdreg s25  }
0x14: {  	vm10 =	vcmask $0x2B28;
	vm11 =	vcmask $0x2F2C;
	vm12 =	vcmask $0x3330;
	s8 =	simm.s32 $0x8A00;
	s9 =	simm.s32 $0x9A00;
	[dreg:$0x8] =	wrdreg s0  }
0x15: {  	vm13 =	vcmask $0x3734;
	vm14 =	vcmask $0x3B38;
	v2 =	vshrl.u32 v0, $0x3;
	s23 =	simm.s32 $0x0;
	[dreg:$0x9] =	wrdreg s26;
	s26 =	simm.s32 $0x3  }
0x16: {  	v1 =	vand.u32 $0x7, v0;
	v3 =	vor.u32 $0x8, v0;
	v5 =	vor.u32 $0x10, v0;
	s4 =	simm.s32 $0xA00;
	s24 =	simm.s32 $0x1200;
	s25 =	simm.s32 $0x1A00  }
0x17: {  	v6 =	vor.u32 $0x20, v0;
	v7 =	vor.u32 $0x30, v0;
	v2 =	vmul.u32 $0x8, v2;
	s22 =	simm.s32 $0xCA00;
	s0 =	simm.s32 $0xF200;
	[dreg:$0xb] =	wrdreg s23  }
.LBB2_1:
0x18: {  	s23 =	rddreg [dreg:$0x4]  }
0x19: {  	[tilespmem:s2], [sflag:$0x3] =	stream.linear.gather [hbm4b:s23+s2], $0x200, $0x38;
	[tilespmem:$0x12480] =	vst v63  }
0x1a: {  	_ =	swait.ge [sflag:s26], $0x200  }
0x1b: {  	[sflag:s26] =	ssyncset.done $0x0  }
0x1c: {  	[sflag:s26] =	ssyncadd.s32 $0xFFFFFE00  }
0x1d: {  	v9 =	vld [tilespmem:$0x0];
	_ =	sdelay $0x4  }
0x1e: {  	v10 =	vshll.u32 v9, $0x1  }
0x1f: {  	v9 =	vand.u32 $0x7, v9;
	v10 =	vand.u32 $0xFFFFFFF0, v10  }
0x20: {  	v9 =	vor.u32 v9, v10  }
0x21: {  	v10 =	vperm.xlane v9, v1;
	_ =	sdelay $0x1  }
0x22: {  	v9 =	vperm.xlane v9, v3;
	v10 =	vadd.s32 v2, v10;
	_ =	sdelay $0x1  }
0x23: {  	v9 =	vadd.s32 v2, v9;
	_ =	sdelay $0x2  }
0x24: {  	[tilespmem:s29], [sflag:$0x1] =	stream.indirect_vreg.gather [hbm4b:s3+s2], $0x80, v10, vm0, $0xb8;
	[tilespmem:$0x12480] =	vst v63  }
0x25: {  	_ = 	snop  }
0x26: {  	[tilespmem:s4], [sflag:$0x1] =	stream.indirect_vreg.gather [hbm4b:s3+s2], $0x80, v9, vm0, $0xb8;
	[tilespmem:$0x12480] =	vst v63  }
0x27: {  	v9 =	vld [tilespmem:$0x10];
	_ =	sdelay $0x4  }
0x28: {  	v10 =	vshll.u32 v9, $0x1  }
0x29: {  	v9 =	vand.u32 $0x7, v9;
	v10 =	vand.u32 $0xFFFFFFF0, v10  }
0x2a: {  	v9 =	vor.u32 v9, v10  }
0x2b: {  	v10 =	vperm.xlane v9, v1;
	_ =	sdelay $0x1  }
0x2c: {  	v9 =	vperm.xlane v9, v3;
	v10 =	vadd.s32 v2, v10;
	_ =	sdelay $0x1  }
0x2d: {  	v9 =	vadd.s32 v2, v9;
	_ =	sdelay $0x2  }
0x2e: {  	[tilespmem:s24], [sflag:$0x1] =	stream.indirect_vreg.gather [hbm4b:s3+s2], $0x80, v10, vm0, $0xb8;
	[tilespmem:$0x12480] =	vst v63  }
0x2f: {  	_ = 	snop  }
0x30: {  	[tilespmem:s25], [sflag:$0x1] =	stream.indirect_vreg.gather [hbm4b:s3+s2], $0x80, v9, vm0, $0xb8;
	[tilespmem:$0x12480] =	vst v63  }
0x31: {  	v9 =	vld [tilespmem:$0x20];
	_ =	sdelay $0x4  }
0x32: {  	v10 =	vshll.u32 v9, $0x1  }
0x33: {  	v9 =	vand.u32 $0x7, v9;
	v10 =	vand.u32 $0xFFFFFFF0, v10  }
0x34: {  	v9 =	vor.u32 v9, v10  }
0x35: {  	v10 =	vperm.xlane v9, v1;
	_ =	sdelay $0x1  }
0x36: {  	v9 =	vperm.xlane v9, v3;
	v10 =	vadd.s32 v2, v10;
	_ =	sdelay $0x1  }
0x37: {  	v9 =	vadd.s32 v2, v9;
	_ =	sdelay $0x1  }
0x38: {  	s26 =	simm.s32 $0x2200  }
0x39: {  	[tilespmem:s26], [sflag:$0x1] =	stream.indirect_vreg.gather [hbm4b:s3+s2], $0x80, v10, vm0, $0xb8;
	[tilespmem:$0x12480] =	vst v63  }
0x3a: {  	s29 =	simm.s32 $0x2A00  }
0x3b: {  	[tilespmem:s29], [sflag:$0x1] =	stream.indirect_vreg.gather [hbm4b:s3+s2], $0x80, v9, vm0, $0xb8;
	[tilespmem:$0x12480] =	vst v63  }
0x3c: {  	v9 =	vld [tilespmem:$0x30];
	_ =	sdelay $0x4  }
0x3d: {  	v10 =	vshll.u32 v9, $0x1  }
0x3e: {  	v9 =	vand.u32 $0x7, v9;
	v10 =	vand.u32 $0xFFFFFFF0, v10  }
0x3f: {  	v9 =	vor.u32 v9, v10  }
0x40: {  	v10 =	vperm.xlane v9, v1;
	_ =	sdelay $0x1  }
0x41: {  	v9 =	vperm.xlane v9, v3;
	v10 =	vadd.s32 v2, v10;
	_ =	sdelay $0x1  }
0x42: {  	v9 =	vadd.s32 v2, v9;
	_ =	sdelay $0x1  }
0x43: {  	s23 =	simm.s32 $0x3200  }
0x44: {  	[tilespmem:s23], [sflag:$0x1] =	stream.indirect_vreg.gather [hbm4b:s3+s2], $0x80, v10, vm0, $0xb8;
	[tilespmem:$0x12480] =	vst v63  }
0x45: {  	s24 =	simm.s32 $0x3A00  }
0x46: {  	[tilespmem:s24], [sflag:$0x1] =	stream.indirect_vreg.gather [hbm4b:s3+s2], $0x80, v9, vm0, $0xb8;
	[tilespmem:$0x12480] =	vst v63  }
0x47: {  	v9 =	vld [tilespmem:$0x40];
	_ =	sdelay $0x4  }
0x48: {  	v10 =	vshll.u32 v9, $0x1  }
0x49: {  	v9 =	vand.u32 $0x7, v9;
	v10 =	vand.u32 $0xFFFFFFF0, v10  }
0x4a: {  	v9 =	vor.u32 v9, v10  }
0x4b: {  	v10 =	vperm.xlane v9, v1;
	_ =	sdelay $0x1  }
0x4c: {  	v9 =	vperm.xlane v9, v3;
	v10 =	vadd.s32 v2, v10;
	_ =	sdelay $0x1  }
0x4d: {  	v9 =	vadd.s32 v2, v9;
	_ =	sdelay $0x1  }
0x4e: {  	s25 =	simm.s32 $0x4200  }
0x4f: {  	[tilespmem:s25], [sflag:$0x1] =	stream.indirect_vreg.gather [hbm4b:s3+s2], $0x80, v10, vm0, $0xb8;
	[tilespmem:$0x12480] =	vst v63  }
0x50: {  	s26 =	simm.s32 $0x4A00  }
0x51: {  	[tilespmem:s26], [sflag:$0x1] =	stream.indirect_vreg.gather [hbm4b:s3+s2], $0x80, v9, vm0, $0xb8;
	[tilespmem:$0x12480] =	vst v63  }
0x52: {  	v9 =	vld [tilespmem:$0x50];
	_ =	sdelay $0x4  }
0x53: {  	v10 =	vshll.u32 v9, $0x1  }
0x54: {  	v9 =	vand.u32 $0x7, v9;
	v10 =	vand.u32 $0xFFFFFFF0, v10  }
0x55: {  	v9 =	vor.u32 v9, v10  }
0x56: {  	v10 =	vperm.xlane v9, v1;
	_ =	sdelay $0x1  }
0x57: {  	v9 =	vperm.xlane v9, v3;
	v10 =	vadd.s32 v2, v10;
	_ =	sdelay $0x1  }
0x58: {  	v9 =	vadd.s32 v2, v9;
	_ =	sdelay $0x2  }
0x59: {  	[tilespmem:s14], [sflag:$0x1] =	stream.indirect_vreg.gather [hbm4b:s3+s2], $0x80, v10, vm0, $0xb8;
	[tilespmem:$0x12480] =	vst v63  }
0x5a: {  	_ = 	snop  }
0x5b: {  	[tilespmem:s15], [sflag:$0x1] =	stream.indirect_vreg.gather [hbm4b:s3+s2], $0x80, v9, vm0, $0xb8;
	[tilespmem:$0x12480] =	vst v63  }
0x5c: {  	v9 =	vld [tilespmem:$0x60];
	_ =	sdelay $0x4  }
0x5d: {  	v10 =	vshll.u32 v9, $0x1  }
0x5e: {  	v9 =	vand.u32 $0x7, v9;
	v10 =	vand.u32 $0xFFFFFFF0, v10  }
0x5f: {  	v9 =	vor.u32 v9, v10  }
0x60: {  	v10 =	vperm.xlane v9, v1;
	_ =	sdelay $0x1  }
0x61: {  	v9 =	vperm.xlane v9, v3;
	v10 =	vadd.s32 v2, v10;
	_ =	sdelay $0x1  }
0x62: {  	v9 =	vadd.s32 v2, v9;
	_ =	sdelay $0x2  }
0x63: {  	[tilespmem:s6], [sflag:$0x1] =	stream.indirect_vreg.gather [hbm4b:s3+s2], $0x80, v10, vm0, $0xb8;
	[tilespmem:$0x12480] =	vst v63  }
0x64: {  	_ = 	snop  }
0x65: {  	[tilespmem:s16], [sflag:$0x1] =	stream.indirect_vreg.gather [hbm4b:s3+s2], $0x80, v9, vm0, $0xb8;
	[tilespmem:$0x12480] =	vst v63  }
0x66: {  	v9 =	vld [tilespmem:$0x70];
	_ =	sdelay $0x4  }
0x67: {  	v10 =	vshll.u32 v9, $0x1  }
0x68: {  	v9 =	vand.u32 $0x7, v9;
	v10 =	vand.u32 $0xFFFFFFF0, v10  }
0x69: {  	v9 =	vor.u32 v9, v10  }
0x6a: {  	v10 =	vperm.xlane v9, v1;
	_ =	sdelay $0x1  }
0x6b: {  	v9 =	vperm.xlane v9, v3;
	v10 =	vadd.s32 v2, v10;
	_ =	sdelay $0x1  }
0x6c: {  	v9 =	vadd.s32 v2, v9;
	_ =	sdelay $0x2  }
0x6d: {  	[tilespmem:s7], [sflag:$0x1] =	stream.indirect_vreg.gather [hbm4b:s3+s2], $0x80, v10, vm0, $0xb8;
	[tilespmem:$0x12480] =	vst v63  }
0x6e: {  	_ = 	snop  }
0x6f: {  	[tilespmem:s17], [sflag:$0x1] =	stream.indirect_vreg.gather [hbm4b:s3+s2], $0x80, v9, vm0, $0xb8;
	[tilespmem:$0x12480] =	vst v63  }
0x70: {  	v9 =	vld [tilespmem:$0x80];
	_ =	sdelay $0x4  }
0x71: {  	v10 =	vshll.u32 v9, $0x1  }
0x72: {  	v9 =	vand.u32 $0x7, v9;
	v10 =	vand.u32 $0xFFFFFFF0, v10  }
0x73: {  	v9 =	vor.u32 v9, v10  }
0x74: {  	v10 =	vperm.xlane v9, v1;
	_ =	sdelay $0x1  }
0x75: {  	v9 =	vperm.xlane v9, v3;
	v10 =	vadd.s32 v2, v10;
	_ =	sdelay $0x1  }
0x76: {  	v9 =	vadd.s32 v2, v9;
	_ =	sdelay $0x2  }
0x77: {  	[tilespmem:s20], [sflag:$0x2] =	stream.indirect_vreg.gather [hbm4b:s3+s2], $0x80, v10, vm0, $0xb8;
	[tilespmem:$0x12480] =	vst v63  }
0x78: {  	_ = 	snop  }
0x79: {  	[tilespmem:s8], [sflag:$0x2] =	stream.indirect_vreg.gather [hbm4b:s3+s2], $0x80, v9, vm0, $0xb8;
	[tilespmem:$0x12480] =	vst v63  }
0x7a: {  	v9 =	vld [tilespmem:$0x90];
	_ =	sdelay $0x4  }
0x7b: {  	v10 =	vshll.u32 v9, $0x1  }
0x7c: {  	v9 =	vand.u32 $0x7, v9;
	v10 =	vand.u32 $0xFFFFFFF0, v10  }
0x7d: {  	v9 =	vor.u32 v9, v10  }
0x7e: {  	v10 =	vperm.xlane v9, v1;
	_ =	sdelay $0x1  }
0x7f: {  	v9 =	vperm.xlane v9, v3;
	v10 =	vadd.s32 v2, v10;
	_ =	sdelay $0x1  }
0x80: {  	v9 =	vadd.s32 v2, v9;
	_ =	sdelay $0x2  }
0x81: {  	[tilespmem:s18], [sflag:$0x2] =	stream.indirect_vreg.gather [hbm4b:s3+s2], $0x80, v10, vm0, $0xb8;
	[tilespmem:$0x12480] =	vst v63  }
0x82: {  	_ = 	snop  }
0x83: {  	[tilespmem:s9], [sflag:$0x2] =	stream.indirect_vreg.gather [hbm4b:s3+s2], $0x80, v9, vm0, $0xb8;
	[tilespmem:$0x12480] =	vst v63  }
0x84: {  	v9 =	vld [tilespmem:$0xA0];
	_ =	sdelay $0x4  }
0x85: {  	v10 =	vshll.u32 v9, $0x1  }
0x86: {  	v9 =	vand.u32 $0x7, v9;
	v10 =	vand.u32 $0xFFFFFFF0, v10  }
0x87: {  	v9 =	vor.u32 v9, v10  }
0x88: {  	v10 =	vperm.xlane v9, v1;
	_ =	sdelay $0x1  }
0x89: {  	v9 =	vperm.xlane v9, v3;
	v10 =	vadd.s32 v2, v10;
	_ =	sdelay $0x1  }
0x8a: {  	v9 =	vadd.s32 v2, v9;
	_ =	sdelay $0x2  }
0x8b: {  	[tilespmem:s19], [sflag:$0x2] =	stream.indirect_vreg.gather [hbm4b:s3+s2], $0x80, v10, vm0, $0xb8;
	[tilespmem:$0x12480] =	vst v63  }
0x8c: {  	_ = 	snop  }
0x8d: {  	[tilespmem:s5], [sflag:$0x2] =	stream.indirect_vreg.gather [hbm4b:s3+s2], $0x80, v9, vm0, $0xb8;
	[tilespmem:$0x12480] =	vst v63  }
0x8e: {  	v9 =	vld [tilespmem:$0xB0];
	_ =	sdelay $0x4  }
0x8f: {  	v10 =	vshll.u32 v9, $0x1  }
0x90: {  	v9 =	vand.u32 $0x7, v9;
	v10 =	vand.u32 $0xFFFFFFF0, v10  }
0x91: {  	v9 =	vor.u32 v9, v10  }
0x92: {  	v10 =	vperm.xlane v9, v1;
	_ =	sdelay $0x1  }
0x93: {  	v9 =	vperm.xlane v9, v3;
	v10 =	vadd.s32 v2, v10;
	_ =	sdelay $0x1  }
0x94: {  	v9 =	vadd.s32 v2, v9;
	_ =	sdelay $0x2  }
0x95: {  	[tilespmem:s1], [sflag:$0x2] =	stream.indirect_vreg.gather [hbm4b:s3+s2], $0x80, v10, vm0, $0xb8;
	[tilespmem:$0x12480] =	vst v63  }
0x96: {  	_ = 	snop  }
0x97: {  	[tilespmem:s12], [sflag:$0x2] =	stream.indirect_vreg.gather [hbm4b:s3+s2], $0x80, v9, vm0, $0xb8;
	[tilespmem:$0x12480] =	vst v63  }
0x98: {  	v9 =	vld [tilespmem:$0xC0];
	_ =	sdelay $0x4  }
0x99: {  	v10 =	vshll.u32 v9, $0x1  }
0x9a: {  	v9 =	vand.u32 $0x7, v9;
	v10 =	vand.u32 $0xFFFFFFF0, v10  }
0x9b: {  	v9 =	vor.u32 v9, v10  }
0x9c: {  	v10 =	vperm.xlane v9, v1;
	_ =	sdelay $0x1  }
0x9d: {  	v9 =	vperm.xlane v9, v3;
	v10 =	vadd.s32 v2, v10;
	_ =	sdelay $0x1  }
0x9e: {  	v9 =	vadd.s32 v2, v9;
	_ =	sdelay $0x2  }
0x9f: {  	[tilespmem:s21], [sflag:$0x2] =	stream.indirect_vreg.gather [hbm4b:s3+s2], $0x80, v10, vm0, $0xb8;
	[tilespmem:$0x12480] =	vst v63  }
0xa0: {  	_ = 	snop  }
0xa1: {  	[tilespmem:s22], [sflag:$0x2] =	stream.indirect_vreg.gather [hbm4b:s3+s2], $0x80, v9, vm0, $0xb8;
	[tilespmem:$0x12480] =	vst v63  }
0xa2: {  	v9 =	vld [tilespmem:$0xD0];
	_ =	sdelay $0x4  }
0xa3: {  	v10 =	vshll.u32 v9, $0x1  }
0xa4: {  	v9 =	vand.u32 $0x7, v9;
	v10 =	vand.u32 $0xFFFFFFF0, v10  }
0xa5: {  	v9 =	vor.u32 v9, v10  }
0xa6: {  	v10 =	vperm.xlane v9, v1;
	_ =	sdelay $0x1  }
0xa7: {  	v9 =	vperm.xlane v9, v3;
	v10 =	vadd.s32 v2, v10;
	_ =	sdelay $0x1  }
0xa8: {  	v9 =	vadd.s32 v2, v9;
	_ =	sdelay $0x2  }
0xa9: {  	[tilespmem:s11], [sflag:$0x2] =	stream.indirect_vreg.gather [hbm4b:s3+s2], $0x80, v10, vm0, $0xb8;
	[tilespmem:$0x12480] =	vst v63  }
0xaa: {  	_ = 	snop  }
0xab: {  	[tilespmem:s28], [sflag:$0x2] =	stream.indirect_vreg.gather [hbm4b:s3+s2], $0x80, v9, vm0, $0xb8;
	[tilespmem:$0x12480] =	vst v63  }
0xac: {  	v9 =	vld [tilespmem:$0xE0];
	_ =	sdelay $0x4  }
0xad: {  	v10 =	vshll.u32 v9, $0x1  }
0xae: {  	v9 =	vand.u32 $0x7, v9;
	v10 =	vand.u32 $0xFFFFFFF0, v10  }
0xaf: {  	v9 =	vor.u32 v9, v10  }
0xb0: {  	v10 =	vperm.xlane v9, v1;
	_ =	sdelay $0x1  }
0xb1: {  	v9 =	vperm.xlane v9, v3;
	v10 =	vadd.s32 v2, v10;
	_ =	sdelay $0x1  }
0xb2: {  	v9 =	vadd.s32 v2, v9;
	_ =	sdelay $0x2  }
0xb3: {  	[tilespmem:s30], [sflag:$0x2] =	stream.indirect_vreg.gather [hbm4b:s3+s2], $0x80, v10, vm0, $0xb8;
	[tilespmem:$0x12480] =	vst v63  }
0xb4: {  	_ = 	snop  }
0xb5: {  	[tilespmem:s31], [sflag:$0x2] =	stream.indirect_vreg.gather [hbm4b:s3+s2], $0x80, v9, vm0, $0xb8;
	[tilespmem:$0x12480] =	vst v63  }
0xb6: {  	v9 =	vld [tilespmem:$0xF0];
	_ =	sdelay $0x4  }
0xb7: {  	v10 =	vshll.u32 v9, $0x1  }
0xb8: {  	v9 =	vand.u32 $0x7, v9;
	v10 =	vand.u32 $0xFFFFFFF0, v10  }
0xb9: {  	v9 =	vor.u32 v9, v10  }
0xba: {  	v10 =	vperm.xlane v9, v1;
	_ =	sdelay $0x1  }
0xbb: {  	v9 =	vperm.xlane v9, v3;
	v10 =	vadd.s32 v2, v10;
	_ =	sdelay $0x1  }
0xbc: {  	v9 =	vadd.s32 v2, v9  }
0xbd: {  	s29 =	sand.u32 $0x7E00, s2  }
0xbe: {  	s30 =	sand.u32 $0x70, s2;
	s31 =	sshrl.u32 s29, $0x2  }
0xbf: {  	[tilespmem:s0], [sflag:$0x2] =	stream.indirect_vreg.gather [hbm4b:s3+s2], $0x80, v10, vm0, $0xb8;
	[tilespmem:$0x12480] =	vst v63  }
0xc0: {  	s23 =	simm.s32 $0x40;
	s24 =	simm.s32 $0x0;
	s25 =	sor.u32 s30, s31  }
0xc1: {  	[tilespmem:s13], [sflag:$0x2] =	stream.indirect_vreg.gather [hbm4b:s3+s2], $0x80, v9, vm0, $0xb8;
	[tilespmem:$0x12480] =	vst v63  }
.LBB2_2:
0xc2: {  	p1 =	sne.s32 s23, $0x7FC0  }
0xc3: {  	[tilespmem:s25+$0x10200] =	vst v4;
	s24 =	sadd.s32 $0x10, s24;
	s25 =	smov.u32 s23;
	s23 =	sadd.s32 $0x40, s23  }
.Ltmp0:
0xc4: {  	(pc) =	sbr.rel @p1 .LBB2_2-.Ltmp0, $4  }
0xc5: {  	_ = 	snop  }
0xc6: {  	s25 =	sand.u32 $0x7E00, s25  }
0xc7: {  	s26 =	sand.u32 $0x70, s24;
	s25 =	sshrl.u32 s25, $0x2  }
0xc8: {  	s25 =	sor.u32 s26, s25  }
0xc9: {  	[tilespmem:s25+$0x10200] =	vst v4  }
0xca: {  	[tilespmem:$0x12200] =	vst v0  }
0xcb: {  	[tilespmem:$0x12210] =	vst v5  }
0xcc: {  	[tilespmem:$0x12220] =	vst v6  }
0xcd: {  	s23 =	simm.s32 @!p0 $0x10200;
	s0 =	rddreg [dreg:$0x2];
	[tilespmem:$0x12230] =	vst v7  }
0xce: {  	[spmem:s0] =	stream.linear.scatter @!p0 [tilespmem:s23], [sflag:$0x3], $0x2000, $0x38;
	[tilespmem:$0x12480] =	vst v63  }
0xcf: {  	s23 =	simm.s32 @!p0 $0x3  }
0xd0: {  	_ =	swait.ge @!p0 [sflag:s23], $0x2000  }
0xd1: {  	[sflag:s23] =	ssyncset.done @!p0 $0x0  }
0xd2: {  	s31 =	simm.s32 $0x0;
	[sflag:s23] =	ssyncadd.s32 @!p0 $0xFFFFE000  }
0xd3: {  	v9 =	vld [tilespmem:s31+$0x0];
	_ =	sdelay $0x7  }
0xd4: {  	[tilespmem:v9+s10+$0x0] =	vst.idx.add.f32.msk $0x1, v8  }
0xd5: {  	[tilespmem:v9+s10+$0x0] =	vst.idx.add.f32.msk vm1, v8  }
0xd6: {  	[tilespmem:v9+s10+$0x0] =	vst.idx.add.f32.msk vm2, v8  }
0xd7: {  	[tilespmem:v9+s10+$0x0] =	vst.idx.add.f32.msk vm3, v8  }
0xd8: {  	[tilespmem:v9+s10+$0x0] =	vst.idx.add.f32.msk vm4, v8  }
0xd9: {  	[tilespmem:v9+s10+$0x0] =	vst.idx.add.f32.msk vm5, v8  }
0xda: {  	[tilespmem:v9+s10+$0x0] =	vst.idx.add.f32.msk vm6, v8  }
0xdb: {  	[tilespmem:v9+s10+$0x0] =	vst.idx.add.f32.msk vm7, v8  }
0xdc: {  	[tilespmem:v9+s10+$0x0] =	vst.idx.add.f32.msk vm8, v8  }
0xdd: {  	[tilespmem:v9+s10+$0x0] =	vst.idx.add.f32.msk vm9, v8  }
0xde: {  	[tilespmem:v9+s10+$0x0] =	vst.idx.add.f32.msk vm10, v8  }
0xdf: {  	[tilespmem:v9+s10+$0x0] =	vst.idx.add.f32.msk vm11, v8  }
0xe0: {  	[tilespmem:v9+s10+$0x0] =	vst.idx.add.f32.msk vm12, v8  }
0xe1: {  	[tilespmem:v9+s10+$0x0] =	vst.idx.add.f32.msk vm13, v8  }
0xe2: {  	s24 =	simm.s32 $0x80;
	s23 =	simm.s32 $0x40;
	[tilespmem:v9+s10+$0x0] =	vst.idx.add.f32.msk vm14, v8  }
.LBB2_4:
0xe3: {  	p1 =	sne.s32 s24, $0x7C0  }
0xe4: {  	s25 =	sshra.s32 s23, $0x2;
	[tilespmem:v9+s10+$0x0] =	vst.idx.add.f32.msk vm15, v8;
	s23 =	smov.u32 s24;
	s24 =	sadd.s32 $0x40, s24  }
0xe5: {  	v9 =	vld [tilespmem:s25+$0x0];
	_ =	sdelay $0x7  }
0xe6: {  	[tilespmem:v9+s10+$0x0] =	vst.idx.add.f32.msk $0x1, v8  }
0xe7: {  	[tilespmem:v9+s10+$0x0] =	vst.idx.add.f32.msk vm1, v8  }
0xe8: {  	[tilespmem:v9+s10+$0x0] =	vst.idx.add.f32.msk vm2, v8  }
0xe9: {  	[tilespmem:v9+s10+$0x0] =	vst.idx.add.f32.msk vm3, v8  }
0xea: {  	[tilespmem:v9+s10+$0x0] =	vst.idx.add.f32.msk vm4, v8  }
0xeb: {  	[tilespmem:v9+s10+$0x0] =	vst.idx.add.f32.msk vm5, v8  }
0xec: {  	[tilespmem:v9+s10+$0x0] =	vst.idx.add.f32.msk vm6, v8  }
0xed: {  	[tilespmem:v9+s10+$0x0] =	vst.idx.add.f32.msk vm7, v8  }
0xee: {  	[tilespmem:v9+s10+$0x0] =	vst.idx.add.f32.msk vm8, v8  }
0xef: {  	[tilespmem:v9+s10+$0x0] =	vst.idx.add.f32.msk vm9, v8  }
.Ltmp1:
0xf0: {  	[tilespmem:v9+s10+$0x0] =	vst.idx.add.f32.msk vm10, v8;
	(pc) =	sbr.rel @p1 .LBB2_4-.Ltmp1, $4  }
0xf1: {  	[tilespmem:v9+s10+$0x0] =	vst.idx.add.f32.msk vm11, v8  }
0xf2: {  	[tilespmem:v9+s10+$0x0] =	vst.idx.add.f32.msk vm12, v8  }
0xf3: {  	[tilespmem:v9+s10+$0x0] =	vst.idx.add.f32.msk vm13, v8  }
0xf4: {  	[tilespmem:v9+s10+$0x0] =	vst.idx.add.f32.msk vm14, v8  }
0xf5: {  	_ =	sdelay $0x4  }
0xf6: {  	s23 =	sshra.s32 s23, $0x2;
	[tilespmem:v9+s10+$0x0] =	vst.idx.add.f32.msk vm15, v8  }
0xf7: {  	v9 =	vld [tilespmem:s23+$0x0];
	_ =	sdelay $0x7  }
0xf8: {  	[tilespmem:v9+s10+$0x0] =	vst.idx.add.f32.msk $0x1, v8  }
0xf9: {  	[tilespmem:v9+s10+$0x0] =	vst.idx.add.f32.msk vm1, v8  }
0xfa: {  	[tilespmem:v9+s10+$0x0] =	vst.idx.add.f32.msk vm2, v8  }
0xfb: {  	[tilespmem:v9+s10+$0x0] =	vst.idx.add.f32.msk vm3, v8  }
0xfc: {  	[tilespmem:v9+s10+$0x0] =	vst.idx.add.f32.msk vm4, v8  }
0xfd: {  	[tilespmem:v9+s10+$0x0] =	vst.idx.add.f32.msk vm5, v8  }
0xfe: {  	[tilespmem:v9+s10+$0x0] =	vst.idx.add.f32.msk vm6, v8  }
0xff: {  	[tilespmem:v9+s10+$0x0] =	vst.idx.add.f32.msk vm7, v8  }
0x100: {  	[tilespmem:v9+s10+$0x0] =	vst.idx.add.f32.msk vm8, v8  }
0x101: {  	[tilespmem:v9+s10+$0x0] =	vst.idx.add.f32.msk vm9, v8  }
0x102: {  	[tilespmem:v9+s10+$0x0] =	vst.idx.add.f32.msk vm10, v8  }
0x103: {  	[tilespmem:v9+s10+$0x0] =	vst.idx.add.f32.msk vm11, v8  }
0x104: {  	[tilespmem:v9+s10+$0x0] =	vst.idx.add.f32.msk vm12, v8  }
0x105: {  	[tilespmem:v9+s10+$0x0] =	vst.idx.add.f32.msk vm13, v8  }
0x106: {  	[tilespmem:v9+s10+$0x0] =	vst.idx.add.f32.msk vm14, v8  }
0x107: {  	s24 =	simm.s32 $0x1;
	[tilespmem:v9+s10+$0x0] =	vst.idx.add.f32.msk vm15, v8  }
0x108: {  	_ =	swait.ge [sflag:s24], $0x8000  }
0x109: {  	s29 =	simm.s32 $0x200;
	[sflag:s24] =	ssyncset.done $0x0  }
0x10a: {  	s26 =	simm.s32 $0x3;
	s0 =	rddreg [dreg:$0xa];
	[sflag:s24] =	ssyncadd.s32 $0xFFFF8000  }
0x10b: {  	[hbm4b:s0+s2] =	stream.linear.scatter [tilespmem:s29], [sflag:$0x3], $0x8000, $0x38;
	[tilespmem:$0x12480] =	vst v63  }
0x10c: {  	_ =	swait.ge [sflag:s26], $0x8000  }
0x10d: {  	[sflag:s26] =	ssyncset.done $0x0  }
0x10e: {  	[sflag:s26] =	ssyncadd.s32 $0xFFFF8000  }
0x10f: {  	v9 =	vld [tilespmem:$0x100];
	_ =	sdelay $0x4  }
0x110: {  	v10 =	vshll.u32 v9, $0x1  }
0x111: {  	v9 =	vand.u32 $0x7, v9;
	v10 =	vand.u32 $0xFFFFFFF0, v10  }
0x112: {  	v9 =	vor.u32 v9, v10  }
0x113: {  	v10 =	vperm.xlane v9, v1;
	_ =	sdelay $0x1  }
0x114: {  	v9 =	vperm.xlane v9, v3;
	v10 =	vadd.s32 v2, v10;
	_ =	sdelay $0x1  }
0x115: {  	v9 =	vadd.s32 v2, v9;
	_ =	sdelay $0x2  }
0x116: {  	[tilespmem:s29], [sflag:$0x1] =	stream.indirect_vreg.gather [hbm4b:s3+s2], $0x80, v10, vm0, $0xb8;
	[tilespmem:$0x12480] =	vst v63  }
0x117: {  	s16 =	simm.s32 $0xA00  }
0x118: {  	[tilespmem:s16], [sflag:$0x1] =	stream.indirect_vreg.gather [hbm4b:s3+s2], $0x80, v9, vm0, $0xb8;
	[tilespmem:$0x12480] =	vst v63  }
0x119: {  	v9 =	vld [tilespmem:$0x110];
	_ =	sdelay $0x4  }
0x11a: {  	v10 =	vshll.u32 v9, $0x1  }
0x11b: {  	v9 =	vand.u32 $0x7, v9;
	v10 =	vand.u32 $0xFFFFFFF0, v10  }
0x11c: {  	v9 =	vor.u32 v9, v10  }
0x11d: {  	v10 =	vperm.xlane v9, v1;
	_ =	sdelay $0x1  }
0x11e: {  	v9 =	vperm.xlane v9, v3;
	v10 =	vadd.s32 v2, v10;
	_ =	sdelay $0x1  }
0x11f: {  	v9 =	vadd.s32 v2, v9;
	_ =	sdelay $0x1  }
0x120: {  	s17 =	simm.s32 $0x1200  }
0x121: {  	[tilespmem:s17], [sflag:$0x1] =	stream.indirect_vreg.gather [hbm4b:s3+s2], $0x80, v10, vm0, $0xb8;
	[tilespmem:$0x12480] =	vst v63  }
0x122: {  	s18 =	simm.s32 $0x1A00  }
0x123: {  	[tilespmem:s18], [sflag:$0x1] =	stream.indirect_vreg.gather [hbm4b:s3+s2], $0x80, v9, vm0, $0xb8;
	[tilespmem:$0x12480] =	vst v63  }
0x124: {  	v9 =	vld [tilespmem:$0x120];
	_ =	sdelay $0x4  }
0x125: {  	v10 =	vshll.u32 v9, $0x1  }
0x126: {  	v9 =	vand.u32 $0x7, v9;
	v10 =	vand.u32 $0xFFFFFFF0, v10  }
0x127: {  	v9 =	vor.u32 v9, v10  }
0x128: {  	v10 =	vperm.xlane v9, v1;
	_ =	sdelay $0x1  }
0x129: {  	v9 =	vperm.xlane v9, v3;
	v10 =	vadd.s32 v2, v10;
	_ =	sdelay $0x1  }
0x12a: {  	v9 =	vadd.s32 v2, v9;
	_ =	sdelay $0x1  }
0x12b: {  	s19 =	simm.s32 $0x2200  }
0x12c: {  	[tilespmem:s19], [sflag:$0x1] =	stream.indirect_vreg.gather [hbm4b:s3+s2], $0x80, v10, vm0, $0xb8;
	[tilespmem:$0x12480] =	vst v63  }
0x12d: {  	s20 =	simm.s32 $0x2A00  }
0x12e: {  	[tilespmem:s20], [sflag:$0x1] =	stream.indirect_vreg.gather [hbm4b:s3+s2], $0x80, v9, vm0, $0xb8;
	[tilespmem:$0x12480] =	vst v63  }
0x12f: {  	v9 =	vld [tilespmem:$0x130];
	_ =	sdelay $0x4  }
0x130: {  	v10 =	vshll.u32 v9, $0x1  }
0x131: {  	v9 =	vand.u32 $0x7, v9;
	v10 =	vand.u32 $0xFFFFFFF0, v10  }
0x132: {  	v9 =	vor.u32 v9, v10  }
0x133: {  	v10 =	vperm.xlane v9, v1;
	_ =	sdelay $0x1  }
0x134: {  	v9 =	vperm.xlane v9, v3;
	v10 =	vadd.s32 v2, v10;
	_ =	sdelay $0x1  }
0x135: {  	v9 =	vadd.s32 v2, v9;
	_ =	sdelay $0x1  }
0x136: {  	s21 =	simm.s32 $0x3200  }
0x137: {  	[tilespmem:s21], [sflag:$0x1] =	stream.indirect_vreg.gather [hbm4b:s3+s2], $0x80, v10, vm0, $0xb8;
	[tilespmem:$0x12480] =	vst v63  }
0x138: {  	s22 =	simm.s32 $0x3A00  }
0x139: {  	[tilespmem:s22], [sflag:$0x1] =	stream.indirect_vreg.gather [hbm4b:s3+s2], $0x80, v9, vm0, $0xb8;
	[tilespmem:$0x12480] =	vst v63  }
0x13a: {  	v9 =	vld [tilespmem:$0x140];
	_ =	sdelay $0x4  }
0x13b: {  	v10 =	vshll.u32 v9, $0x1  }
0x13c: {  	v9 =	vand.u32 $0x7, v9;
	v10 =	vand.u32 $0xFFFFFFF0, v10  }
0x13d: {  	v9 =	vor.u32 v9, v10  }
0x13e: {  	v10 =	vperm.xlane v9, v1;
	_ =	sdelay $0x1  }
0x13f: {  	v9 =	vperm.xlane v9, v3;
	v10 =	vadd.s32 v2, v10;
	_ =	sdelay $0x1  }
0x140: {  	v9 =	vadd.s32 v2, v9;
	_ =	sdelay $0x1  }
0x141: {  	s23 =	simm.s32 $0x4200  }
0x142: {  	[tilespmem:s23], [sflag:$0x1] =	stream.indirect_vreg.gather [hbm4b:s3+s2], $0x80, v10, vm0, $0xb8;
	[tilespmem:$0x12480] =	vst v63  }
0x143: {  	s25 =	simm.s32 $0x4A00  }
0x144: {  	[tilespmem:s25], [sflag:$0x1] =	stream.indirect_vreg.gather [hbm4b:s3+s2], $0x80, v9, vm0, $0xb8;
	[tilespmem:$0x12480] =	vst v63  }
0x145: {  	v9 =	vld [tilespmem:$0x150];
	_ =	sdelay $0x4  }
0x146: {  	v10 =	vshll.u32 v9, $0x1  }
0x147: {  	v9 =	vand.u32 $0x7, v9;
	v10 =	vand.u32 $0xFFFFFFF0, v10  }
0x148: {  	v9 =	vor.u32 v9, v10  }
0x149: {  	v10 =	vperm.xlane v9, v1;
	_ =	sdelay $0x1  }
0x14a: {  	v9 =	vperm.xlane v9, v3;
	v10 =	vadd.s32 v2, v10;
	_ =	sdelay $0x1  }
0x14b: {  	v9 =	vadd.s32 v2, v9;
	_ =	sdelay $0x1  }
0x14c: {  	s14 =	simm.s32 $0x5200  }
0x14d: {  	[tilespmem:s14], [sflag:$0x1] =	stream.indirect_vreg.gather [hbm4b:s3+s2], $0x80, v10, vm0, $0xb8;
	[tilespmem:$0x12480] =	vst v63  }
0x14e: {  	s15 =	simm.s32 $0x5A00  }
0x14f: {  	[tilespmem:s15], [sflag:$0x1] =	stream.indirect_vreg.gather [hbm4b:s3+s2], $0x80, v9, vm0, $0xb8;
	[tilespmem:$0x12480] =	vst v63  }
0x150: {  	v9 =	vld [tilespmem:$0x160];
	_ =	sdelay $0x4  }
0x151: {  	v10 =	vshll.u32 v9, $0x1  }
0x152: {  	v9 =	vand.u32 $0x7, v9;
	v10 =	vand.u32 $0xFFFFFFF0, v10  }
0x153: {  	v9 =	vor.u32 v9, v10  }
0x154: {  	v10 =	vperm.xlane v9, v1;
	_ =	sdelay $0x1  }
0x155: {  	v9 =	vperm.xlane v9, v3;
	v10 =	vadd.s32 v2, v10;
	_ =	sdelay $0x1  }
0x156: {  	v9 =	vadd.s32 v2, v9;
	_ =	sdelay $0x1  }
0x157: {  	s6 =	simm.s32 $0x6200  }
0x158: {  	[tilespmem:s6], [sflag:$0x1] =	stream.indirect_vreg.gather [hbm4b:s3+s2], $0x80, v10, vm0, $0xb8;
	[tilespmem:$0x12480] =	vst v63  }
0x159: {  	s16 =	simm.s32 $0x6A00  }
0x15a: {  	[tilespmem:s16], [sflag:$0x1] =	stream.indirect_vreg.gather [hbm4b:s3+s2], $0x80, v9, vm0, $0xb8;
	[tilespmem:$0x12480] =	vst v63  }
0x15b: {  	v9 =	vld [tilespmem:$0x170];
	_ =	sdelay $0x4  }
0x15c: {  	v10 =	vshll.u32 v9, $0x1  }
0x15d: {  	v9 =	vand.u32 $0x7, v9;
	v10 =	vand.u32 $0xFFFFFFF0, v10  }
0x15e: {  	v9 =	vor.u32 v9, v10  }
0x15f: {  	v10 =	vperm.xlane v9, v1;
	_ =	sdelay $0x1  }
0x160: {  	v9 =	vperm.xlane v9, v3;
	v10 =	vadd.s32 v2, v10;
	_ =	sdelay $0x1  }
0x161: {  	v9 =	vadd.s32 v2, v9;
	_ =	sdelay $0x1  }
0x162: {  	s7 =	simm.s32 $0x7200  }
0x163: {  	[tilespmem:s7], [sflag:$0x1] =	stream.indirect_vreg.gather [hbm4b:s3+s2], $0x80, v10, vm0, $0xb8;
	[tilespmem:$0x12480] =	vst v63  }
0x164: {  	s17 =	simm.s32 $0x7A00;
	s25 =	simm.s32 $0x2  }
0x165: {  	[tilespmem:s17], [sflag:$0x1] =	stream.indirect_vreg.gather [hbm4b:s3+s2], $0x80, v9, vm0, $0xb8;
	[tilespmem:$0x12480] =	vst v63  }
0x166: {  	_ =	swait.ge [sflag:s25], $0x8000  }
0x167: {  	[sflag:s25] =	ssyncset.done $0x0  }
0x168: {  	s20 =	simm.s32 $0x8200;
	s1 =	rddreg [dreg:$0x5];
	[sflag:s25] =	ssyncadd.s32 $0xFFFF8000  }
0x169: {  	[hbm4b:s1+s2] =	stream.linear.scatter [tilespmem:s20], [sflag:$0x3], $0x8000, $0x38;
	[tilespmem:$0x12480] =	vst v63  }
0x16a: {  	_ =	swait.ge [sflag:s26], $0x8000  }
0x16b: {  	[sflag:s26] =	ssyncset.done $0x0  }
0x16c: {  	[sflag:s26] =	ssyncadd.s32 $0xFFFF8000  }
0x16d: {  	v9 =	vld [tilespmem:$0x180];
	_ =	sdelay $0x4  }
0x16e: {  	v10 =	vshll.u32 v9, $0x1  }
0x16f: {  	v9 =	vand.u32 $0x7, v9;
	v10 =	vand.u32 $0xFFFFFFF0, v10  }
0x170: {  	v9 =	vor.u32 v9, v10  }
0x171: {  	v10 =	vperm.xlane v9, v1;
	_ =	sdelay $0x1  }
0x172: {  	v9 =	vperm.xlane v9, v3;
	v10 =	vadd.s32 v2, v10;
	_ =	sdelay $0x1  }
0x173: {  	v9 =	vadd.s32 v2, v9;
	_ =	sdelay $0x2  }
0x174: {  	[tilespmem:s20], [sflag:$0x2] =	stream.indirect_vreg.gather [hbm4b:s3+s2], $0x80, v10, vm0, $0xb8;
	[tilespmem:$0x12480] =	vst v63  }
0x175: {  	s8 =	simm.s32 $0x8A00  }
0x176: {  	[tilespmem:s8], [sflag:$0x2] =	stream.indirect_vreg.gather [hbm4b:s3+s2], $0x80, v9, vm0, $0xb8;
	[tilespmem:$0x12480] =	vst v63  }
0x177: {  	v9 =	vld [tilespmem:$0x190];
	_ =	sdelay $0x4  }
0x178: {  	v10 =	vshll.u32 v9, $0x1  }
0x179: {  	v9 =	vand.u32 $0x7, v9;
	v10 =	vand.u32 $0xFFFFFFF0, v10  }
0x17a: {  	v9 =	vor.u32 v9, v10  }
0x17b: {  	v10 =	vperm.xlane v9, v1;
	_ =	sdelay $0x1  }
0x17c: {  	v9 =	vperm.xlane v9, v3;
	v10 =	vadd.s32 v2, v10;
	_ =	sdelay $0x1  }
0x17d: {  	v9 =	vadd.s32 v2, v9;
	_ =	sdelay $0x1  }
0x17e: {  	s18 =	simm.s32 $0x9200  }
0x17f: {  	[tilespmem:s18], [sflag:$0x2] =	stream.indirect_vreg.gather [hbm4b:s3+s2], $0x80, v10, vm0, $0xb8;
	[tilespmem:$0x12480] =	vst v63  }
0x180: {  	s9 =	simm.s32 $0x9A00  }
0x181: {  	[tilespmem:s9], [sflag:$0x2] =	stream.indirect_vreg.gather [hbm4b:s3+s2], $0x80, v9, vm0, $0xb8;
	[tilespmem:$0x12480] =	vst v63  }
0x182: {  	v9 =	vld [tilespmem:$0x1A0];
	_ =	sdelay $0x4  }
0x183: {  	v10 =	vshll.u32 v9, $0x1  }
0x184: {  	v9 =	vand.u32 $0x7, v9;
	v10 =	vand.u32 $0xFFFFFFF0, v10  }
0x185: {  	v9 =	vor.u32 v9, v10  }
0x186: {  	v10 =	vperm.xlane v9, v1;
	_ =	sdelay $0x1  }
0x187: {  	v9 =	vperm.xlane v9, v3;
	v10 =	vadd.s32 v2, v10;
	_ =	sdelay $0x1  }
0x188: {  	v9 =	vadd.s32 v2, v9;
	_ =	sdelay $0x1  }
0x189: {  	s19 =	simm.s32 $0xA200  }
0x18a: {  	[tilespmem:s19], [sflag:$0x2] =	stream.indirect_vreg.gather [hbm4b:s3+s2], $0x80, v10, vm0, $0xb8;
	[tilespmem:$0x12480] =	vst v63  }
0x18b: {  	s5 =	simm.s32 $0xAA00  }
0x18c: {  	[tilespmem:s5], [sflag:$0x2] =	stream.indirect_vreg.gather [hbm4b:s3+s2], $0x80, v9, vm0, $0xb8;
	[tilespmem:$0x12480] =	vst v63  }
0x18d: {  	v9 =	vld [tilespmem:$0x1B0];
	_ =	sdelay $0x4  }
0x18e: {  	v10 =	vshll.u32 v9, $0x1  }
0x18f: {  	v9 =	vand.u32 $0x7, v9;
	v10 =	vand.u32 $0xFFFFFFF0, v10  }
0x190: {  	v9 =	vor.u32 v9, v10  }
0x191: {  	v10 =	vperm.xlane v9, v1;
	_ =	sdelay $0x1  }
0x192: {  	v9 =	vperm.xlane v9, v3;
	v10 =	vadd.s32 v2, v10;
	_ =	sdelay $0x1  }
0x193: {  	v9 =	vadd.s32 v2, v9;
	_ =	sdelay $0x1  }
0x194: {  	s1 =	simm.s32 $0xB200  }
0x195: {  	[tilespmem:s1], [sflag:$0x2] =	stream.indirect_vreg.gather [hbm4b:s3+s2], $0x80, v10, vm0, $0xb8;
	[tilespmem:$0x12480] =	vst v63  }
0x196: {  	s12 =	simm.s32 $0xBA00  }
0x197: {  	[tilespmem:s12], [sflag:$0x2] =	stream.indirect_vreg.gather [hbm4b:s3+s2], $0x80, v9, vm0, $0xb8;
	[tilespmem:$0x12480] =	vst v63  }
0x198: {  	v9 =	vld [tilespmem:$0x1C0];
	_ =	sdelay $0x4  }
0x199: {  	v10 =	vshll.u32 v9, $0x1  }
0x19a: {  	v9 =	vand.u32 $0x7, v9;
	v10 =	vand.u32 $0xFFFFFFF0, v10  }
0x19b: {  	v9 =	vor.u32 v9, v10  }
0x19c: {  	v10 =	vperm.xlane v9, v1;
	_ =	sdelay $0x1  }
0x19d: {  	v9 =	vperm.xlane v9, v3;
	v10 =	vadd.s32 v2, v10;
	_ =	sdelay $0x1  }
0x19e: {  	v9 =	vadd.s32 v2, v9;
	_ =	sdelay $0x1  }
0x19f: {  	s21 =	simm.s32 $0xC200  }
0x1a0: {  	[tilespmem:s21], [sflag:$0x2] =	stream.indirect_vreg.gather [hbm4b:s3+s2], $0x80, v10, vm0, $0xb8;
	[tilespmem:$0x12480] =	vst v63  }
0x1a1: {  	s22 =	simm.s32 $0xCA00  }
0x1a2: {  	[tilespmem:s22], [sflag:$0x2] =	stream.indirect_vreg.gather [hbm4b:s3+s2], $0x80, v9, vm0, $0xb8;
	[tilespmem:$0x12480] =	vst v63  }
0x1a3: {  	v9 =	vld [tilespmem:$0x1D0];
	_ =	sdelay $0x4  }
0x1a4: {  	v10 =	vshll.u32 v9, $0x1  }
0x1a5: {  	v9 =	vand.u32 $0x7, v9;
	v10 =	vand.u32 $0xFFFFFFF0, v10  }
0x1a6: {  	v9 =	vor.u32 v9, v10  }
0x1a7: {  	v10 =	vperm.xlane v9, v1;
	_ =	sdelay $0x1  }
0x1a8: {  	v9 =	vperm.xlane v9, v3;
	v10 =	vadd.s32 v2, v10;
	_ =	sdelay $0x1  }
0x1a9: {  	v9 =	vadd.s32 v2, v9;
	_ =	sdelay $0x1  }
0x1aa: {  	s11 =	simm.s32 $0xD200  }
0x1ab: {  	[tilespmem:s11], [sflag:$0x2] =	stream.indirect_vreg.gather [hbm4b:s3+s2], $0x80, v10, vm0, $0xb8;
	[tilespmem:$0x12480] =	vst v63  }
0x1ac: {  	s28 =	simm.s32 $0xDA00  }
0x1ad: {  	[tilespmem:s28], [sflag:$0x2] =	stream.indirect_vreg.gather [hbm4b:s3+s2], $0x80, v9, vm0, $0xb8;
	[tilespmem:$0x12480] =	vst v63  }
0x1ae: {  	v9 =	vld [tilespmem:$0x1E0];
	_ =	sdelay $0x4  }
0x1af: {  	v10 =	vshll.u32 v9, $0x1  }
0x1b0: {  	v9 =	vand.u32 $0x7, v9;
	v10 =	vand.u32 $0xFFFFFFF0, v10  }
0x1b1: {  	v9 =	vor.u32 v9, v10  }
0x1b2: {  	v10 =	vperm.xlane v9, v1;
	_ =	sdelay $0x1  }
0x1b3: {  	v9 =	vperm.xlane v9, v3;
	v10 =	vadd.s32 v2, v10;
	_ =	sdelay $0x1  }
0x1b4: {  	v9 =	vadd.s32 v2, v9;
	_ =	sdelay $0x1  }
0x1b5: {  	s30 =	simm.s32 $0xE200  }
0x1b6: {  	[tilespmem:s30], [sflag:$0x2] =	stream.indirect_vreg.gather [hbm4b:s3+s2], $0x80, v10, vm0, $0xb8;
	[tilespmem:$0x12480] =	vst v63  }
0x1b7: {  	s31 =	simm.s32 $0xEA00  }
0x1b8: {  	[tilespmem:s31], [sflag:$0x2] =	stream.indirect_vreg.gather [hbm4b:s3+s2], $0x80, v9, vm0, $0xb8;
	[tilespmem:$0x12480] =	vst v63  }
0x1b9: {  	v9 =	vld [tilespmem:$0x1F0];
	_ =	sdelay $0x4  }
0x1ba: {  	v10 =	vshll.u32 v9, $0x1  }
0x1bb: {  	v9 =	vand.u32 $0x7, v9;
	v10 =	vand.u32 $0xFFFFFFF0, v10  }
0x1bc: {  	v9 =	vor.u32 v9, v10  }
0x1bd: {  	v10 =	vperm.xlane v9, v1;
	_ =	sdelay $0x1  }
0x1be: {  	v9 =	vperm.xlane v9, v3;
	v10 =	vadd.s32 v2, v10;
	_ =	sdelay $0x1  }
0x1bf: {  	v9 =	vadd.s32 v2, v9;
	_ =	sdelay $0x1  }
0x1c0: {  	s0 =	simm.s32 $0xF200  }
0x1c1: {  	[tilespmem:s0], [sflag:$0x2] =	stream.indirect_vreg.gather [hbm4b:s3+s2], $0x80, v10, vm0, $0xb8;
	[tilespmem:$0x12480] =	vst v63  }
0x1c2: {  	s13 =	simm.s32 $0xFA00  }
0x1c3: {  	[tilespmem:s13], [sflag:$0x2] =	stream.indirect_vreg.gather [hbm4b:s3+s2], $0x80, v9, vm0, $0xb8;
	[tilespmem:$0x12480] =	vst v63  }
0x1c4: {  	_ =	swait.ge [sflag:s24], $0x8000  }
0x1c5: {  	[sflag:s24] =	ssyncset.done $0x0  }
0x1c6: {  	s4 =	rddreg [dreg:$0x6];
	[sflag:s24] =	ssyncadd.s32 $0xFFFF8000  }
0x1c7: {  	[hbm4b:s4+s2] =	stream.linear.scatter [tilespmem:s29], [sflag:$0x3], $0x8000, $0x38;
	[tilespmem:$0x12480] =	vst v63  }
0x1c8: {  	_ =	swait.ge [sflag:s26], $0x8000  }
0x1c9: {  	[sflag:s26] =	ssyncset.done $0x0  }
0x1ca: {  	[sflag:s26] =	ssyncadd.s32 $0xFFFF8000  }
0x1cb: {  	_ =	swait.ge [sflag:s25], $0x8000  }
0x1cc: {  	[sflag:s25] =	ssyncset.done $0x0  }
0x1cd: {  	s24 =	rddreg [dreg:$0x7];
	[sflag:s25] =	ssyncadd.s32 $0xFFFF8000  }
0x1ce: {  	[hbm4b:s24+s2] =	stream.linear.scatter [tilespmem:s20], [sflag:$0x3], $0x8000, $0x38;
	[tilespmem:$0x12480] =	vst v63  }
0x1cf: {  	_ =	swait.ge [sflag:s26], $0x8000  }
0x1d0: {  	[sflag:s26] =	ssyncset.done $0x0  }
0x1d1: {  	[sflag:s26] =	ssyncadd.s32 $0xFFFF8000  }
0x1d2: {  	[bflag:$0x0] =	sbarrier.arrive $0xFFFF  }
0x1d3: {  	s4 =	simm.s32 $0x12200;
	s25 =	simm.s32 $0x40;
	s23 =	rddreg [dreg:$0x2]  }
0x1d4: {  	[spmem:s23] =	stream.indirect.scatter.add.f32 [tilespmem:s10], [sflag:$0x3], $0x80, s4, s25, $0xb8;
	[tilespmem:$0x12480] =	vst v63  }
0x1d5: {  	_ =	swait.ge [sflag:s26], $0x2000  }
0x1d6: {  	[sflag:s26] =	ssyncset.done $0x0  }
0x1d7: {  	[sflag:s26] =	ssyncadd.s32 $0xFFFFE000  }
0x1d8: {  	[bflag:$0x0] =	sbarrier.arrive $0xFFFF  }
0x1d9: {  	s24 =	simm.s32 @!p0 $0x1C03;
	s23 =	sshrl.u32 @!p0 s23, $0x3;
	s25 =	rddreg [dreg:$0x8]  }
0x1da: {  	[hbm:s25], [sflag:s24] =	dma.local @!p0 [spmem:s23], $0x400  }
0x1db: {  	s23 =	simm.s32 @!p0 $0x3  }
0x1dc: {  	_ =	swait.ge @!p0 [sflag:s23], $0x400  }
0x1dd: {  	s4 =	rddreg [dreg:$0xb]  }
0x1de: {  	s24 =	rddreg [dreg:$0x9];
	s4 =	sadd.s32 $0x1, s4  }
0x1df: {  	p1 =	sne.s32 s4, s24  }
.Ltmp2:
0x1e0: {  	_ = 	snop;
	(pc) =	sbr.rel @p1 .LBB2_1-.Ltmp2, $4  }
0x1e1: {  	_ = 	snop  }
0x1e2: {  	[sflag:s23] =	ssyncset.done @!p0 $0x0  }
0x1e3: {  	s25 =	simm.s32 $0x1A00;
	[sflag:s23] =	ssyncadd.s32 @!p0 $0xFFFFFC00  }
0x1e4: {  	[dreg:$0xb] =	wrdreg s4;
	s4 =	simm.s32 $0xA00;
	s24 =	simm.s32 $0x1200  }
0x1e5: {  	_ =	sfence.sel $0x180000  }
0x1e6: {  	[bflag:$0x0] =	sbarrier.arrive $0xFFFF  }
0x1e7: {  	_ =	strace $0x90000047  }
0x1e8: {  	[bflag:$0x2] =	sbarrier.arrive $0xFFFF  }
0x1e9: {  	s0 =	rddreg [dreg:$0x3]  }
0x1ea: {  	s0 =	sadd.s32 @!p0 $0x100000, s0  }
0x1eb: {  	[sflag:s0] =	ssyncadd.tile.s32 @!p0 $0x1;
	_ =	shalt  }
.Lfunc_end2:
_tile_overlayer_lowered:
.L_overlay_start_2:
0x1ec: {  	(tag) =	ssettag $0x2  }
0x1ed: {  	s0 =	rddreg [dreg:$0x0];
	s2 =	stileid.u32  }
0x1ee: {  	s1 =	rddreg [dreg:$0x1];
	p0 =	sne.s32 s2, $0x0  }
0x1ef: {  	s3 =	rddreg [dreg:$0x2];
	[bflag:$0x3] =	sbarrier.arrive $0xFFFF;
	s2 =	simm.s32 @!p0 $0x1C03  }
0x1f0: {  	[timem:s3], [sflag:s2] =	dma.local @!p0 [hbm:s0], s1  }
0x1f1: {  	s0 =	simm.s32 @!p0 $0x3  }
0x1f2: {  	_ =	swait.ge @!p0 [sflag:s0], s1  }
0x1f3: {  	s1 =	ssub.s32 @!p0 $0x0, s1;
	[sflag:s0] =	ssyncset.done @!p0 $0x0  }
0x1f4: {  	[sflag:s0] =	ssyncadd.s32 @!p0 s1  }
0x1f5: {  	[bflag:$0x3] =	sbarrier.arrive $0xFFFF  }
0x1f6: {  	_ =	shalt  }

</sc_bundles>
